<compile_context>
chip_gen: v7x
topology: tpu7x:2x2x1
jax: 0.10.2.dev20260603
libtpu: 0.0.44.dev20260713+nightly
codegen_flags: <defaults>
</compile_context>

<pallas_src>
import functools

import jax
import jax.numpy as jnp
from jax import lax
from jax.experimental import pallas as pl
from jax.experimental.pallas import tpu as pltpu
from jax.experimental.pallas import tpu_sc as plsc

_N, _D, _H = 10000, 128, 256
_HH = _H // 2
_R = 1000
_C = 80
_NC, _NS = 2, 16
_NP = 10240

_INTERPRET = False



def _embed_body(x_ref, wemb_ref, bemb_ref, w_ref, b_ref, h_ref, a_ref, bb_ref):
    x = x_ref[...]
    h = jnp.maximum(
        jnp.dot(x, wemb_ref[...], preferred_element_type=jnp.float32)
        + bemb_ref[...], 0.0)
    h_ref[...] = h
    w = w_ref[...]
    a = jnp.dot(h, w[:_H], preferred_element_type=jnp.float32)
    bb = jnp.dot(h, w[_H:], preferred_element_type=jnp.float32) + b_ref[...]
    a_ref[0] = a[:, :_HH]
    a_ref[1] = a[:, _HH:]
    bb_ref[0] = bb[:, :_HH]
    bb_ref[1] = bb[:, _HH:]


def _combine_body(h_ref, m_ref, w_ref, b_ref, hn_ref, a_ref, bb_ref):
    hn = h_ref[...] + jnp.concatenate([m_ref[0], m_ref[1]], axis=1)
    hn_ref[...] = hn
    w = w_ref[...]
    a = jnp.dot(hn, w[:_H], preferred_element_type=jnp.float32)
    bb = jnp.dot(hn, w[_H:], preferred_element_type=jnp.float32) + b_ref[...]
    a_ref[0] = a[:, :_HH]
    a_ref[1] = a[:, _HH:]
    bb_ref[0] = bb[:, :_HH]
    bb_ref[1] = bb[:, _HH:]


def _final_body(h_ref, m_ref, wp1_ref, bp1_ref, wp2_ref, bp2_ref,
                hf_ref, pred_ref):
    hn = h_ref[...] + jnp.concatenate([m_ref[0], m_ref[1]], axis=1)
    hf_ref[...] = hn
    mean = jnp.mean(hn, axis=0, keepdims=True)
    pooled = jnp.concatenate([hn[0:1, :], mean], axis=1)
    p = jnp.maximum(
        jnp.dot(pooled, wp1_ref[...], preferred_element_type=jnp.float32)
        + bp1_ref[...], 0.0)
    pred_ref[...] = (
        jnp.dot(p, wp2_ref[...], preferred_element_type=jnp.float32)
        + bp2_ref[...])


def _mm_embed(x, wemb, bemb, w, b):
    return pl.pallas_call(
        _embed_body,
        grid=(_N // _R,),
        in_specs=[
            pl.BlockSpec((_R, _D), lambda i: (i, 0)),
            pl.BlockSpec((_D, _H), lambda i: (0, 0)),
            pl.BlockSpec((1, _H), lambda i: (0, 0)),
            pl.BlockSpec((2 * _H, _H), lambda i: (0, 0)),
            pl.BlockSpec((1, _H), lambda i: (0, 0)),
        ],
        out_specs=[
            pl.BlockSpec((_R, _H), lambda i: (i, 0)),
            pl.BlockSpec((2, _R, _HH), lambda i: (0, i, 0)),
            pl.BlockSpec((2, _R, _HH), lambda i: (0, i, 0)),
        ],
        out_shape=[
            jax.ShapeDtypeStruct((_N, _H), jnp.float32),
            jax.ShapeDtypeStruct((2, _N, _HH), jnp.float32),
            jax.ShapeDtypeStruct((2, _N, _HH), jnp.float32),
        ],
        interpret=_INTERPRET,
    )(x, wemb, bemb, w, b)


def _mm_combine(h, m, w, b):
    return pl.pallas_call(
        _combine_body,
        grid=(_N // _R,),
        in_specs=[
            pl.BlockSpec((_R, _H), lambda i: (i, 0)),
            pl.BlockSpec((2, _R, _HH), lambda i: (0, i, 0)),
            pl.BlockSpec((2 * _H, _H), lambda i: (0, 0)),
            pl.BlockSpec((1, _H), lambda i: (0, 0)),
        ],
        out_specs=[
            pl.BlockSpec((_R, _H), lambda i: (i, 0)),
            pl.BlockSpec((2, _R, _HH), lambda i: (0, i, 0)),
            pl.BlockSpec((2, _R, _HH), lambda i: (0, i, 0)),
        ],
        out_shape=[
            jax.ShapeDtypeStruct((_N, _H), jnp.float32),
            jax.ShapeDtypeStruct((2, _N, _HH), jnp.float32),
            jax.ShapeDtypeStruct((2, _N, _HH), jnp.float32),
        ],
        interpret=_INTERPRET,
    )(h, m, w, b)


def _mm_final(h, m, wp1, bp1, wp2, bp2):
    return pl.pallas_call(
        _final_body,
        grid=(1,),
        in_specs=[
            pl.BlockSpec((_N, _H), lambda i: (0, 0)),
            pl.BlockSpec((2, _N, _HH), lambda i: (0, 0, 0)),
            pl.BlockSpec((2 * _H, _H), lambda i: (0, 0)),
            pl.BlockSpec((1, _H), lambda i: (0, 0)),
            pl.BlockSpec((_H, _HH), lambda i: (0, 0)),
            pl.BlockSpec((1, _HH), lambda i: (0, 0)),
        ],
        out_specs=[
            pl.BlockSpec((_N, _H), lambda i: (0, 0)),
            pl.BlockSpec((1, _HH), lambda i: (0, 0)),
        ],
        out_shape=[
            jax.ShapeDtypeStruct((_N, _H), jnp.float32),
            jax.ShapeDtypeStruct((1, _HH), jnp.float32),
        ],
        interpret=_INTERPRET,
    )(h, m, wp1, bp1, wp2, bp2)



def _make_sc_layer(E):
    ept = E // _NS
    chunks = ept // _C
    rpt = _NP // _NS
    mesh = plsc.VectorSubcoreMesh(core_axis_name="c", subcore_axis_name="s",
                                  num_cores=_NC, num_subcores=_NS)

    @functools.partial(
        pl.kernel,
        out_type=jax.ShapeDtypeStruct((_NC * _NP, _HH), jnp.float32),
        mesh=mesh,
        scratch_types=[
            pltpu.VMEM_SHARED((_NP, _HH), jnp.float32),
            pltpu.VMEM((_C,), jnp.int32),
            pltpu.VMEM((_C,), jnp.int32),
            pltpu.VMEM((_C,), jnp.int32),
            pltpu.VMEM((_C,), jnp.int32),
            pltpu.VMEM((_C, _HH), jnp.float32),
            pltpu.VMEM((_C, _HH), jnp.float32),
            pltpu.SemaphoreType.DMA,
            pltpu.SemaphoreType.DMA,
        ],
    )
    def sc_layer(a_hbm, b_hbm, src_hbm, dst_hbm, z_hbm, out_hbm,
                 acc, src_v, dst_v, idxa_v, idxb_v, abuf, bbuf, sem_a, sem_b):
        c = lax.axis_index("c")
        s = lax.axis_index("s")
        row0 = s * rpt
        coff = c * _N
        ooff = c * _NP
        pltpu.sync_copy(z_hbm, acc.at[pl.ds(row0, rpt)])
        plsc.subcore_barrier()

        @pl.loop(0, chunks)
        def _chunk(g):
            eoff = s * ept + g * _C
            pltpu.sync_copy(src_hbm.at[pl.ds(eoff, _C)], src_v)
            pltpu.sync_copy(dst_hbm.at[pl.ds(eoff, _C)], dst_v)
            for k in range(_C // 16):
                sl = pl.ds(k * 16, 16)
                idxa_v[sl] = src_v[sl] + coff
                idxb_v[sl] = dst_v[sl] + coff
            ca = pltpu.async_copy(a_hbm.at[idxa_v], abuf, sem_a)
            cb = pltpu.async_copy(b_hbm.at[idxb_v], bbuf, sem_b)
            ca.wait()
            cb.wait()

            @pl.loop(0, _C)
            def _row(r):
                for k in range(_HH // 16):
                    sl = pl.ds(k * 16, 16)
                    abuf[r, sl] = jnp.maximum(abuf[r, sl] + bbuf[r, sl], 0.0)

            pltpu.sync_copy(abuf, acc.at[dst_v], add=True)

        plsc.subcore_barrier()
        pltpu.sync_copy(acc.at[pl.ds(row0, rpt)],
                        out_hbm.at[pl.ds(ooff + row0, rpt)])

    return sc_layer



def kernel(node_features, edge_index, W_emb, b_emb, W_g0, b_g0,
           W_g1, b_g1, W_g2, b_g2, W_p1, b_p1, W_p2, b_p2):
    E = edge_index.shape[1]
    src = edge_index[0]
    dst = edge_index[1]
    zeros = jnp.zeros((_NP // _NS, _HH), jnp.float32)
    sc_layer = _make_sc_layer(E)

    h, a3, b3 = _mm_embed(node_features, W_emb, b_emb.reshape(1, _H),
                          W_g0, b_g0.reshape(1, _H))
    m = sc_layer(a3.reshape(_NC * _N, _HH), b3.reshape(_NC * _N, _HH),
                 src, dst, zeros)
    h, a3, b3 = _mm_combine(h, m.reshape(_NC, _NP, _HH),
                            W_g1, b_g1.reshape(1, _H))
    m = sc_layer(a3.reshape(_NC * _N, _HH), b3.reshape(_NC * _N, _HH),
                 src, dst, zeros)
    h, a3, b3 = _mm_combine(h, m.reshape(_NC, _NP, _HH),
                            W_g2, b_g2.reshape(1, _H))
    m = sc_layer(a3.reshape(_NC * _N, _HH), b3.reshape(_NC * _N, _HH),
                 src, dst, zeros)

    wp2 = jnp.pad(W_p2, ((0, 0), (0, _HH - 1)))
    bp2 = jnp.pad(b_p2, (0, _HH - 1)).reshape(1, _HH)
    hf, pred = _mm_final(h, m.reshape(_NC, _NP, _HH),
                         W_p1, b_p1.reshape(1, _H), wp2, bp2)
    return (pred[0, :1], hf)

# --- scband reference (transcript-rebuilt; emitter-appended) ---
"""Pipeline reference for scband-pure-gnn-54202487275747 (READ-ONLY COPY).

The authoritative reference and input builder live on the scoring server;
editing this copy changes nothing except your own understanding.
"""

import jax, jax.numpy as jnp
import numpy as np

N, D, H, E = 10000, 128, 256, 320000


def _init_w(k, shape):
    fan_in = shape[0]
    return jax.random.normal(k, shape, dtype=jnp.float32) * (1.0 / np.sqrt(fan_in))


def setup_inputs(seed: int = 0) -> dict:
    key = jax.random.key(seed)
    ks = jax.random.split(key, 12)
    inp = {}
    inp['node_features'] = jax.random.normal(ks[0], (N, D), dtype=jnp.float32)
    inp['edge_index'] = jax.random.randint(ks[1], (2, E), 0, N, dtype=jnp.int32)
    # node_embedding: Linear(D, H)
    inp['W_emb'] = _init_w(ks[2], (D, H))
    inp['b_emb'] = jnp.zeros((H,), dtype=jnp.float32)
    # gnn layers: 3 x Linear(2H, H)
    inp['W_g0'] = _init_w(ks[3], (2 * H, H))
    inp['b_g0'] = jnp.zeros((H,), dtype=jnp.float32)
    inp['W_g1'] = _init_w(ks[4], (2 * H, H))
    inp['b_g1'] = jnp.zeros((H,), dtype=jnp.float32)
    inp['W_g2'] = _init_w(ks[5], (2 * H, H))
    inp['b_g2'] = jnp.zeros((H,), dtype=jnp.float32)
    # predictor: Linear(2H, H) -> ReLU -> Linear(H, 1)
    inp['W_p1'] = _init_w(ks[6], (2 * H, H))
    inp['b_p1'] = jnp.zeros((H,), dtype=jnp.float32)
    inp['W_p2'] = _init_w(ks[7], (H, 1))
    inp['b_p2'] = jnp.zeros((1,), dtype=jnp.float32)
    return inp


def reference(node_features, edge_index, W_emb, b_emb, W_g0, b_g0, W_g1, b_g1, W_g2, b_g2, W_p1, b_p1, W_p2, b_p2):
    # node embedding (dropout is identity in eval mode)
    h = jax.nn.relu(node_features @ W_emb + b_emb)
    src = edge_index[0]
    dst = edge_index[1]
    for (W, b) in ((W_g0, b_g0), (W_g1, b_g1), (W_g2, b_g2)):
        # per-edge message: MLP(concat(h[src], h[dst])), scatter-add to dst
        m_in = jnp.concatenate([h[src], h[dst]], axis=1)
        m = jax.nn.relu(m_in @ W + b)
        messages = jax.ops.segment_sum(m, dst, num_segments=h.shape[0])
        h = h + messages
    question_idx = 0
    pooled = jnp.concatenate([h[question_idx], jnp.mean(h, axis=0)], axis=0)
    pred = jax.nn.relu(pooled @ W_p1 + b_p1) @ W_p2 + b_p2
    return (pred, h)

if __name__ == "__main__":
    import jax
    _d = setup_inputs()
    print(jax.jit(kernel)(*tuple(_d.values())))

</pallas_src>

<mosaic_0001>
#map = affine_map<(d0, d1) -> (0, 0)>
#map1 = affine_map<(d0, d1) -> (0)>
module attributes {stable_mosaic.version = 14 : i64} {
  func.func @sc_layer(%arg0: i32, %arg1: i32, %arg2: memref<20000x128xf32, #tpu.memory_space<hbm>>, %arg3: memref<20000x128xf32, #tpu.memory_space<hbm>>, %arg4: memref<320000xi32, #tpu.memory_space<hbm>>, %arg5: memref<320000xi32, #tpu.memory_space<hbm>>, %arg6: memref<640x128xf32, #tpu.memory_space<hbm>>, %arg7: memref<20480x128xf32, #tpu.memory_space<hbm>>, %arg8: memref<10240x128xf32, #tpu.memory_space<vmem_shared>>, %arg9: memref<80xi32, #tpu.memory_space<vmem>>, %arg10: memref<80xi32, #tpu.memory_space<vmem>>, %arg11: memref<80xi32, #tpu.memory_space<vmem>>, %arg12: memref<80xi32, #tpu.memory_space<vmem>>, %arg13: memref<80x128xf32, #tpu.memory_space<vmem>>, %arg14: memref<80x128xf32, #tpu.memory_space<vmem>>, %arg15: memref<!tpu.dma_semaphore, #tpu.memory_space<semaphore_mem>>, %arg16: memref<!tpu.dma_semaphore, #tpu.memory_space<semaphore_mem>>) attributes {dimension_semantics = [#tpu.dimension_semantics<core_parallel>, #tpu.dimension_semantics<subcore_parallel>], iteration_bounds = array<i64: 2, 16>, scalar_prefetch = 0 : i64, scratch_operands = 9 : i64, tpu.core_type = #tpu.core_type<sc_vector_subcore>, window_params = [{transform_indices = #map}, {transform_indices = #map}, {transform_indices = #map1}, {transform_indices = #map1}, {transform_indices = #map}, {transform_indices = #map}]} {
    %mul3A = arith.constant 640 : i32
    %mul3A_0 = arith.muli %arg1, %mul3A : i32
    %mul3A_1 = arith.constant 10000 : i32
    %mul3A_2 = arith.muli %arg0, %mul3A_1 : i32
    %mul3A_3 = arith.constant 10240 : i32
    %mul3A_4 = arith.muli %arg0, %mul3A_3 : i32
    "tpu.region"() ({
      %run_scoped3A = tpu.sem_alloc : memref<!tpu.dma_semaphore, #tpu.memory_space<semaphore_mem>>
      %dma_start3A = arith.constant 0 : i32
      %dma_start3A_10 = tpu.memref_slice %arg8[%mul3A_0, %dma_start3A] : memref<10240x128xf32, #tpu.memory_space<vmem_shared>> -> memref<640x128xf32, #tpu.memory_space<vmem_shared>>
      tpu.enqueue_dma source(%arg6 : memref<640x128xf32, #tpu.memory_space<hbm>>) target(%dma_start3A_10 : memref<640x128xf32, #tpu.memory_space<vmem_shared>>) target_semaphore(%run_scoped3A : memref<!tpu.dma_semaphore, #tpu.memory_space<semaphore_mem>>)
      %dma_wait3A = arith.constant 0 : i32
      %dma_wait3A_11 = tpu.memref_slice %arg8[%mul3A_0, %dma_wait3A] : memref<10240x128xf32, #tpu.memory_space<vmem_shared>> -> memref<640x128xf32, #tpu.memory_space<vmem_shared>>
      tpu.wait_dma2 semaphore(%run_scoped3A : memref<!tpu.dma_semaphore, #tpu.memory_space<semaphore_mem>>) src(%arg6 : memref<640x128xf32, #tpu.memory_space<hbm>>) dst(%dma_wait3A_11 : memref<640x128xf32, #tpu.memory_space<vmem_shared>>)
      tpu.yield
    }) : () -> ()
    %barrier3A = arith.constant 0 : index
    tpu.barrier barrier_id(%barrier3A)
    %scan3A = arith.constant 0 : i32
    %scan3A_5 = arith.constant 250 : i32
    %scan3A_6 = arith.addi %scan3A, %scan3A_5 : i32
    %scan3A_7 = arith.constant 1 : i32
    scf.for %scan3A_10 = %scan3A to %scan3A_6 step %scan3A_7  : i32 {
      %mul3A_11 = arith.constant 1 : i32
      %mul3A_12 = arith.muli %scan3A_10, %mul3A_11 : i32
      %add3A_13 = arith.constant 0 : i32
      %add3A_14 = arith.addi %add3A_13, %mul3A_12 : i32
      %mul3A_15 = arith.constant 20000 : i32
      %mul3A_16 = arith.muli %arg1, %mul3A_15 : i32
      %mul3A_17 = arith.constant 80 : i32
      %mul3A_18 = arith.muli %add3A_14, %mul3A_17 : i32
      %add3A_19 = arith.addi %mul3A_16, %mul3A_18 : i32
      "tpu.region"() ({
        %run_scoped3A = tpu.sem_alloc : memref<!tpu.dma_semaphore, #tpu.memory_space<semaphore_mem>>
        %dma_start3A_123 = tpu.memref_slice %arg4[%add3A_19] : memref<320000xi32, #tpu.memory_space<hbm>> -> memref<80xi32, #tpu.memory_space<hbm>>
        %dma_start3A_124 = tpu.memref_slice %arg4[%add3A_19] : memref<320000xi32, #tpu.memory_space<hbm>> -> memref<80xi32, #tpu.memory_space<hbm>>
        tpu.enqueue_dma source(%dma_start3A_124 : memref<80xi32, #tpu.memory_space<hbm>>) target(%arg9 : memref<80xi32, #tpu.memory_space<vmem>>) target_semaphore(%run_scoped3A : memref<!tpu.dma_semaphore, #tpu.memory_space<semaphore_mem>>)
        %dma_wait3A_125 = tpu.memref_slice %arg4[%add3A_19] : memref<320000xi32, #tpu.memory_space<hbm>> -> memref<80xi32, #tpu.memory_space<hbm>>
        %dma_wait3A_126 = tpu.memref_slice %arg4[%add3A_19] : memref<320000xi32, #tpu.memory_space<hbm>> -> memref<80xi32, #tpu.memory_space<hbm>>
        tpu.wait_dma2 semaphore(%run_scoped3A : memref<!tpu.dma_semaphore, #tpu.memory_space<semaphore_mem>>) src(%dma_wait3A_126 : memref<80xi32, #tpu.memory_space<hbm>>) dst(%arg9 : memref<80xi32, #tpu.memory_space<vmem>>)
        tpu.yield
      }) : () -> ()
      "tpu.region"() ({
        %run_scoped3A = tpu.sem_alloc : memref<!tpu.dma_semaphore, #tpu.memory_space<semaphore_mem>>
        %dma_start3A_123 = tpu.memref_slice %arg5[%add3A_19] : memref<320000xi32, #tpu.memory_space<hbm>> -> memref<80xi32, #tpu.memory_space<hbm>>
        %dma_start3A_124 = tpu.memref_slice %arg5[%add3A_19] : memref<320000xi32, #tpu.memory_space<hbm>> -> memref<80xi32, #tpu.memory_space<hbm>>
        tpu.enqueue_dma source(%dma_start3A_124 : memref<80xi32, #tpu.memory_space<hbm>>) target(%arg10 : memref<80xi32, #tpu.memory_space<vmem>>) target_semaphore(%run_scoped3A : memref<!tpu.dma_semaphore, #tpu.memory_space<semaphore_mem>>)
        %dma_wait3A_125 = tpu.memref_slice %arg5[%add3A_19] : memref<320000xi32, #tpu.memory_space<hbm>> -> memref<80xi32, #tpu.memory_space<hbm>>
        %dma_wait3A_126 = tpu.memref_slice %arg5[%add3A_19] : memref<320000xi32, #tpu.memory_space<hbm>> -> memref<80xi32, #tpu.memory_space<hbm>>
        tpu.wait_dma2 semaphore(%run_scoped3A : memref<!tpu.dma_semaphore, #tpu.memory_space<semaphore_mem>>) src(%dma_wait3A_126 : memref<80xi32, #tpu.memory_space<hbm>>) dst(%arg10 : memref<80xi32, #tpu.memory_space<vmem>>)
        tpu.yield
      }) : () -> ()
      %get3A = arith.constant 0 : index
      %get3A_20 = tpu.vector_load %arg9[%get3A] {strides = array<i32>} : memref<80xi32, #tpu.memory_space<vmem>>, vector<16xi32>,
      %get3A_21 = vector.shape_cast %get3A_20 : vector<16xi32> to vector<16xi32>
      %add3A_22 = vector.broadcast %mul3A_2 : i32 to vector<16xi32>
      %add3A_23 = arith.addi %get3A_21, %add3A_22 : vector<16xi32>
      %swap3A = arith.constant 0 : index
      %swap3A_24 = tpu.vector_load %arg11[%swap3A] {strides = array<i32>} : memref<80xi32, #tpu.memory_space<vmem>>, vector<16xi32>,
      %swap3A_25 = vector.shape_cast %swap3A_24 : vector<16xi32> to vector<16xi32>
      %swap3A_26 = vector.shape_cast %add3A_23 : vector<16xi32> to vector<16xi32>
      tpu.vector_store %arg11[%swap3A], %swap3A_26 {strides = array<i32>} : memref<80xi32, #tpu.memory_space<vmem>>, vector<16xi32>,
      %get3A_27 = arith.constant 0 : index
      %get3A_28 = tpu.vector_load %arg10[%get3A_27] {strides = array<i32>} : memref<80xi32, #tpu.memory_space<vmem>>, vector<16xi32>,
      %get3A_29 = vector.shape_cast %get3A_28 : vector<16xi32> to vector<16xi32>
      %add3A_30 = vector.broadcast %mul3A_2 : i32 to vector<16xi32>
      %add3A_31 = arith.addi %get3A_29, %add3A_30 : vector<16xi32>
      %swap3A_32 = arith.constant 0 : index
      %swap3A_33 = tpu.vector_load %arg12[%swap3A_32] {strides = array<i32>} : memref<80xi32, #tpu.memory_space<vmem>>, vector<16xi32>,
      %swap3A_34 = vector.shape_cast %swap3A_33 : vector<16xi32> to vector<16xi32>
      %swap3A_35 = vector.shape_cast %add3A_31 : vector<16xi32> to vector<16xi32>
      tpu.vector_store %arg12[%swap3A_32], %swap3A_35 {strides = array<i32>} : memref<80xi32, #tpu.memory_space<vmem>>, vector<16xi32>,
      %get3A_36 = arith.constant 16 : index
      %get3A_37 = tpu.vector_load %arg9[%get3A_36] {strides = array<i32>} : memref<80xi32, #tpu.memory_space<vmem>>, vector<16xi32>,
      %get3A_38 = vector.shape_cast %get3A_37 : vector<16xi32> to vector<16xi32>
      %add3A_39 = vector.broadcast %mul3A_2 : i32 to vector<16xi32>
      %add3A_40 = arith.addi %get3A_38, %add3A_39 : vector<16xi32>
      %swap3A_41 = arith.constant 16 : index
      %swap3A_42 = tpu.vector_load %arg11[%swap3A_41] {strides = array<i32>} : memref<80xi32, #tpu.memory_space<vmem>>, vector<16xi32>,
      %swap3A_43 = vector.shape_cast %swap3A_42 : vector<16xi32> to vector<16xi32>
      %swap3A_44 = vector.shape_cast %add3A_40 : vector<16xi32> to vector<16xi32>
      tpu.vector_store %arg11[%swap3A_41], %swap3A_44 {strides = array<i32>} : memref<80xi32, #tpu.memory_space<vmem>>, vector<16xi32>,
      %get3A_45 = arith.constant 16 : index
      %get3A_46 = tpu.vector_load %arg10[%get3A_45] {strides = array<i32>} : memref<80xi32, #tpu.memory_space<vmem>>, vector<16xi32>,
      %get3A_47 = vector.shape_cast %get3A_46 : vector<16xi32> to vector<16xi32>
      %add3A_48 = vector.broadcast %mul3A_2 : i32 to vector<16xi32>
      %add3A_49 = arith.addi %get3A_47, %add3A_48 : vector<16xi32>
      %swap3A_50 = arith.constant 16 : index
      %swap3A_51 = tpu.vector_load %arg12[%swap3A_50] {strides = array<i32>} : memref<80xi32, #tpu.memory_space<vmem>>, vector<16xi32>,
      %swap3A_52 = vector.shape_cast %swap3A_51 : vector<16xi32> to vector<16xi32>
      %swap3A_53 = vector.shape_cast %add3A_49 : vector<16xi32> to vector<16xi32>
      tpu.vector_store %arg12[%swap3A_50], %swap3A_53 {strides = array<i32>} : memref<80xi32, #tpu.memory_space<vmem>>, vector<16xi32>,
      %get3A_54 = arith.constant 32 : index
      %get3A_55 = tpu.vector_load %arg9[%get3A_54] {strides = array<i32>} : memref<80xi32, #tpu.memory_space<vmem>>, vector<16xi32>,
      %get3A_56 = vector.shape_cast %get3A_55 : vector<16xi32> to vector<16xi32>
      %add3A_57 = vector.broadcast %mul3A_2 : i32 to vector<16xi32>
      %add3A_58 = arith.addi %get3A_56, %add3A_57 : vector<16xi32>
      %swap3A_59 = arith.constant 32 : index
      %swap3A_60 = tpu.vector_load %arg11[%swap3A_59] {strides = array<i32>} : memref<80xi32, #tpu.memory_space<vmem>>, vector<16xi32>,
      %swap3A_61 = vector.shape_cast %swap3A_60 : vector<16xi32> to vector<16xi32>
      %swap3A_62 = vector.shape_cast %add3A_58 : vector<16xi32> to vector<16xi32>
      tpu.vector_store %arg11[%swap3A_59], %swap3A_62 {strides = array<i32>} : memref<80xi32, #tpu.memory_space<vmem>>, vector<16xi32>,
      %get3A_63 = arith.constant 32 : index
      %get3A_64 = tpu.vector_load %arg10[%get3A_63] {strides = array<i32>} : memref<80xi32, #tpu.memory_space<vmem>>, vector<16xi32>,
      %get3A_65 = vector.shape_cast %get3A_64 : vector<16xi32> to vector<16xi32>
      %add3A_66 = vector.broadcast %mul3A_2 : i32 to vector<16xi32>
      %add3A_67 = arith.addi %get3A_65, %add3A_66 : vector<16xi32>
      %swap3A_68 = arith.constant 32 : index
      %swap3A_69 = tpu.vector_load %arg12[%swap3A_68] {strides = array<i32>} : memref<80xi32, #tpu.memory_space<vmem>>, vector<16xi32>,
      %swap3A_70 = vector.shape_cast %swap3A_69 : vector<16xi32> to vector<16xi32>
      %swap3A_71 = vector.shape_cast %add3A_67 : vector<16xi32> to vector<16xi32>
      tpu.vector_store %arg12[%swap3A_68], %swap3A_71 {strides = array<i32>} : memref<80xi32, #tpu.memory_space<vmem>>, vector<16xi32>,
      %get3A_72 = arith.constant 48 : index
      %get3A_73 = tpu.vector_load %arg9[%get3A_72] {strides = array<i32>} : memref<80xi32, #tpu.memory_space<vmem>>, vector<16xi32>,
      %get3A_74 = vector.shape_cast %get3A_73 : vector<16xi32> to vector<16xi32>
      %add3A_75 = vector.broadcast %mul3A_2 : i32 to vector<16xi32>
      %add3A_76 = arith.addi %get3A_74, %add3A_75 : vector<16xi32>
      %swap3A_77 = arith.constant 48 : index
      %swap3A_78 = tpu.vector_load %arg11[%swap3A_77] {strides = array<i32>} : memref<80xi32, #tpu.memory_space<vmem>>, vector<16xi32>,
      %swap3A_79 = vector.shape_cast %swap3A_78 : vector<16xi32> to vector<16xi32>
      %swap3A_80 = vector.shape_cast %add3A_76 : vector<16xi32> to vector<16xi32>
      tpu.vector_store %arg11[%swap3A_77], %swap3A_80 {strides = array<i32>} : memref<80xi32, #tpu.memory_space<vmem>>, vector<16xi32>,
      %get3A_81 = arith.constant 48 : index
      %get3A_82 = tpu.vector_load %arg10[%get3A_81] {strides = array<i32>} : memref<80xi32, #tpu.memory_space<vmem>>, vector<16xi32>,
      %get3A_83 = vector.shape_cast %get3A_82 : vector<16xi32> to vector<16xi32>
      %add3A_84 = vector.broadcast %mul3A_2 : i32 to vector<16xi32>
      %add3A_85 = arith.addi %get3A_83, %add3A_84 : vector<16xi32>
      %swap3A_86 = arith.constant 48 : index
      %swap3A_87 = tpu.vector_load %arg12[%swap3A_86] {strides = array<i32>} : memref<80xi32, #tpu.memory_space<vmem>>, vector<16xi32>,
      %swap3A_88 = vector.shape_cast %swap3A_87 : vector<16xi32> to vector<16xi32>
      %swap3A_89 = vector.shape_cast %add3A_85 : vector<16xi32> to vector<16xi32>
      tpu.vector_store %arg12[%swap3A_86], %swap3A_89 {strides = array<i32>} : memref<80xi32, #tpu.memory_space<vmem>>, vector<16xi32>,
      %get3A_90 = arith.constant 64 : index
      %get3A_91 = tpu.vector_load %arg9[%get3A_90] {strides = array<i32>} : memref<80xi32, #tpu.memory_space<vmem>>, vector<16xi32>,
      %get3A_92 = vector.shape_cast %get3A_91 : vector<16xi32> to vector<16xi32>
      %add3A_93 = vector.broadcast %mul3A_2 : i32 to vector<16xi32>
      %add3A_94 = arith.addi %get3A_92, %add3A_93 : vector<16xi32>
      %swap3A_95 = arith.constant 64 : index
      %swap3A_96 = tpu.vector_load %arg11[%swap3A_95] {strides = array<i32>} : memref<80xi32, #tpu.memory_space<vmem>>, vector<16xi32>,
      %swap3A_97 = vector.shape_cast %swap3A_96 : vector<16xi32> to vector<16xi32>
      %swap3A_98 = vector.shape_cast %add3A_94 : vector<16xi32> to vector<16xi32>
      tpu.vector_store %arg11[%swap3A_95], %swap3A_98 {strides = array<i32>} : memref<80xi32, #tpu.memory_space<vmem>>, vector<16xi32>,
      %get3A_99 = arith.constant 64 : index
      %get3A_100 = tpu.vector_load %arg10[%get3A_99] {strides = array<i32>} : memref<80xi32, #tpu.memory_space<vmem>>, vector<16xi32>,
      %get3A_101 = vector.shape_cast %get3A_100 : vector<16xi32> to vector<16xi32>
      %add3A_102 = vector.broadcast %mul3A_2 : i32 to vector<16xi32>
      %add3A_103 = arith.addi %get3A_101, %add3A_102 : vector<16xi32>
      %swap3A_104 = arith.constant 64 : index
      %swap3A_105 = tpu.vector_load %arg12[%swap3A_104] {strides = array<i32>} : memref<80xi32, #tpu.memory_space<vmem>>, vector<16xi32>,
      %swap3A_106 = vector.shape_cast %swap3A_105 : vector<16xi32> to vector<16xi32>
      %swap3A_107 = vector.shape_cast %add3A_103 : vector<16xi32> to vector<16xi32>
      tpu.vector_store %arg12[%swap3A_104], %swap3A_107 {strides = array<i32>} : memref<80xi32, #tpu.memory_space<vmem>>, vector<16xi32>,
      %dma_start3A = arith.constant 0 : i32
      %dma_start3A_108 = arith.constant 0 : i32
      %dma_start3A_109 = tpu.memref_slice %arg2[%dma_start3A, %dma_start3A_108] : memref<20000x128xf32, #tpu.memory_space<hbm>> -> memref<20000x128xf32, #tpu.memory_space<hbm>>
      tpu.enqueue_indirect_dma source(%dma_start3A_109 : memref<20000x128xf32, #tpu.memory_space<hbm>>) target(%arg13 : memref<80x128xf32, #tpu.memory_space<vmem>>) offsets(%arg11 : memref<80xi32, #tpu.memory_space<vmem>>) semaphore(%arg15 : memref<!tpu.dma_semaphore, #tpu.memory_space<semaphore_mem>>)
      %dma_start3A_110 = arith.constant 0 : i32
      %dma_start3A_111 = arith.constant 0 : i32
      %dma_start3A_112 = tpu.memref_slice %arg3[%dma_start3A_110, %dma_start3A_111] : memref<20000x128xf32, #tpu.memory_space<hbm>> -> memref<20000x128xf32, #tpu.memory_space<hbm>>
      tpu.enqueue_indirect_dma source(%dma_start3A_112 : memref<20000x128xf32, #tpu.memory_space<hbm>>) target(%arg14 : memref<80x128xf32, #tpu.memory_space<vmem>>) offsets(%arg12 : memref<80xi32, #tpu.memory_space<vmem>>) semaphore(%arg16 : memref<!tpu.dma_semaphore, #tpu.memory_space<semaphore_mem>>)
      %dma_wait3A = arith.constant 0 : i32
      %dma_wait3A_113 = arith.constant 0 : i32
      %dma_wait3A_114 = tpu.memref_slice %arg2[%dma_wait3A, %dma_wait3A_113] : memref<20000x128xf32, #tpu.memory_space<hbm>> -> memref<20000x128xf32, #tpu.memory_space<hbm>>
      tpu.wait_indirect_dma semaphore(%arg15 : memref<!tpu.dma_semaphore, #tpu.memory_space<semaphore_mem>>) src(%dma_wait3A_114 : memref<20000x128xf32, #tpu.memory_space<hbm>>) dst(%arg13 : memref<80x128xf32, #tpu.memory_space<vmem>>)
      %dma_wait3A_115 = arith.constant 0 : i32
      %dma_wait3A_116 = arith.constant 0 : i32
      %dma_wait3A_117 = tpu.memref_slice %arg3[%dma_wait3A_115, %dma_wait3A_116] : memref<20000x128xf32, #tpu.memory_space<hbm>> -> memref<20000x128xf32, #tpu.memory_space<hbm>>
      tpu.wait_indirect_dma semaphore(%arg16 : memref<!tpu.dma_semaphore, #tpu.memory_space<semaphore_mem>>) src(%dma_wait3A_117 : memref<20000x128xf32, #tpu.memory_space<hbm>>) dst(%arg14 : memref<80x128xf32, #tpu.memory_space<vmem>>)
      %scan3A_118 = arith.constant 0 : i32
      %scan3A_119 = arith.constant 80 : i32
      %scan3A_120 = arith.addi %scan3A_118, %scan3A_119 : i32
      %scan3A_121 = arith.constant 1 : i32
      scf.for %scan3A_123 = %scan3A_118 to %scan3A_120 step %scan3A_121  : i32 {
        %mul3A_124 = arith.constant 1 : i32
        %mul3A_125 = arith.muli %scan3A_123, %mul3A_124 : i32
        %add3A_126 = arith.constant 0 : i32
        %add3A_127 = arith.addi %add3A_126, %mul3A_125 : i32
        %get3A_128 = arith.index_cast %add3A_127 : i32 to index
        %get3A_129 = arith.constant 0 : index
        %get3A_130 = tpu.vector_load %arg13[%get3A_128, %get3A_129] {strides = array<i32>} : memref<80x128xf32, #tpu.memory_space<vmem>>, vector<1x16xf32>,
        %get3A_131 = vector.shape_cast %get3A_130 : vector<1x16xf32> to vector<16xf32>
        %get3A_132 = arith.index_cast %add3A_127 : i32 to index
        %get3A_133 = arith.constant 0 : index
        %get3A_134 = tpu.vector_load %arg14[%get3A_132, %get3A_133] {strides = array<i32>} : memref<80x128xf32, #tpu.memory_space<vmem>>, vector<1x16xf32>,
        %get3A_135 = vector.shape_cast %get3A_134 : vector<1x16xf32> to vector<16xf32>
        %add3A_136 = arith.addf %get3A_131, %get3A_135 : vector<16xf32>
        %max3A = arith.constant 0.000000e+00 : f32
        %max3A_137 = vector.broadcast %max3A : f32 to vector<16xf32>
        %max3A_138 = arith.maximumf %add3A_136, %max3A_137 : vector<16xf32>
        %swap3A_139 = arith.index_cast %add3A_127 : i32 to index
        %swap3A_140 = arith.constant 0 : index
        %swap3A_141 = tpu.vector_load %arg13[%swap3A_139, %swap3A_140] {strides = array<i32>} : memref<80x128xf32, #tpu.memory_space<vmem>>, vector<1x16xf32>,
        %swap3A_142 = vector.shape_cast %swap3A_141 : vector<1x16xf32> to vector<16xf32>
        %swap3A_143 = vector.shape_cast %max3A_138 : vector<16xf32> to vector<1x16xf32>
        tpu.vector_store %arg13[%swap3A_139, %swap3A_140], %swap3A_143 {strides = array<i32>} : memref<80x128xf32, #tpu.memory_space<vmem>>, vector<1x16xf32>,
        %get3A_144 = arith.index_cast %add3A_127 : i32 to index
        %get3A_145 = arith.constant 16 : index
        %get3A_146 = tpu.vector_load %arg13[%get3A_144, %get3A_145] {strides = array<i32>} : memref<80x128xf32, #tpu.memory_space<vmem>>, vector<1x16xf32>,
        %get3A_147 = vector.shape_cast %get3A_146 : vector<1x16xf32> to vector<16xf32>
        %get3A_148 = arith.index_cast %add3A_127 : i32 to index
        %get3A_149 = arith.constant 16 : index
        %get3A_150 = tpu.vector_load %arg14[%get3A_148, %get3A_149] {strides = array<i32>} : memref<80x128xf32, #tpu.memory_space<vmem>>, vector<1x16xf32>,
        %get3A_151 = vector.shape_cast %get3A_150 : vector<1x16xf32> to vector<16xf32>
        %add3A_152 = arith.addf %get3A_147, %get3A_151 : vector<16xf32>
        %max3A_153 = arith.constant 0.000000e+00 : f32
        %max3A_154 = vector.broadcast %max3A_153 : f32 to vector<16xf32>
        %max3A_155 = arith.maximumf %add3A_152, %max3A_154 : vector<16xf32>
        %swap3A_156 = arith.index_cast %add3A_127 : i32 to index
        %swap3A_157 = arith.constant 16 : index
        %swap3A_158 = tpu.vector_load %arg13[%swap3A_156, %swap3A_157] {strides = array<i32>} : memref<80x128xf32, #tpu.memory_space<vmem>>, vector<1x16xf32>,
        %swap3A_159 = vector.shape_cast %swap3A_158 : vector<1x16xf32> to vector<16xf32>
        %swap3A_160 = vector.shape_cast %max3A_155 : vector<16xf32> to vector<1x16xf32>
        tpu.vector_store %arg13[%swap3A_156, %swap3A_157], %swap3A_160 {strides = array<i32>} : memref<80x128xf32, #tpu.memory_space<vmem>>, vector<1x16xf32>,
        %get3A_161 = arith.index_cast %add3A_127 : i32 to index
        %get3A_162 = arith.constant 32 : index
        %get3A_163 = tpu.vector_load %arg13[%get3A_161, %get3A_162] {strides = array<i32>} : memref<80x128xf32, #tpu.memory_space<vmem>>, vector<1x16xf32>,
        %get3A_164 = vector.shape_cast %get3A_163 : vector<1x16xf32> to vector<16xf32>
        %get3A_165 = arith.index_cast %add3A_127 : i32 to index
        %get3A_166 = arith.constant 32 : index
        %get3A_167 = tpu.vector_load %arg14[%get3A_165, %get3A_166] {strides = array<i32>} : memref<80x128xf32, #tpu.memory_space<vmem>>, vector<1x16xf32>,
        %get3A_168 = vector.shape_cast %get3A_167 : vector<1x16xf32> to vector<16xf32>
        %add3A_169 = arith.addf %get3A_164, %get3A_168 : vector<16xf32>
        %max3A_170 = arith.constant 0.000000e+00 : f32
        %max3A_171 = vector.broadcast %max3A_170 : f32 to vector<16xf32>
        %max3A_172 = arith.maximumf %add3A_169, %max3A_171 : vector<16xf32>
        %swap3A_173 = arith.index_cast %add3A_127 : i32 to index
        %swap3A_174 = arith.constant 32 : index
        %swap3A_175 = tpu.vector_load %arg13[%swap3A_173, %swap3A_174] {strides = array<i32>} : memref<80x128xf32, #tpu.memory_space<vmem>>, vector<1x16xf32>,
        %swap3A_176 = vector.shape_cast %swap3A_175 : vector<1x16xf32> to vector<16xf32>
        %swap3A_177 = vector.shape_cast %max3A_172 : vector<16xf32> to vector<1x16xf32>
        tpu.vector_store %arg13[%swap3A_173, %swap3A_174], %swap3A_177 {strides = array<i32>} : memref<80x128xf32, #tpu.memory_space<vmem>>, vector<1x16xf32>,
        %get3A_178 = arith.index_cast %add3A_127 : i32 to index
        %get3A_179 = arith.constant 48 : index
        %get3A_180 = tpu.vector_load %arg13[%get3A_178, %get3A_179] {strides = array<i32>} : memref<80x128xf32, #tpu.memory_space<vmem>>, vector<1x16xf32>,
        %get3A_181 = vector.shape_cast %get3A_180 : vector<1x16xf32> to vector<16xf32>
        %get3A_182 = arith.index_cast %add3A_127 : i32 to index
        %get3A_183 = arith.constant 48 : index
        %get3A_184 = tpu.vector_load %arg14[%get3A_182, %get3A_183] {strides = array<i32>} : memref<80x128xf32, #tpu.memory_space<vmem>>, vector<1x16xf32>,
        %get3A_185 = vector.shape_cast %get3A_184 : vector<1x16xf32> to vector<16xf32>
        %add3A_186 = arith.addf %get3A_181, %get3A_185 : vector<16xf32>
        %max3A_187 = arith.constant 0.000000e+00 : f32
        %max3A_188 = vector.broadcast %max3A_187 : f32 to vector<16xf32>
        %max3A_189 = arith.maximumf %add3A_186, %max3A_188 : vector<16xf32>
        %swap3A_190 = arith.index_cast %add3A_127 : i32 to index
        %swap3A_191 = arith.constant 48 : index
        %swap3A_192 = tpu.vector_load %arg13[%swap3A_190, %swap3A_191] {strides = array<i32>} : memref<80x128xf32, #tpu.memory_space<vmem>>, vector<1x16xf32>,
        %swap3A_193 = vector.shape_cast %swap3A_192 : vector<1x16xf32> to vector<16xf32>
        %swap3A_194 = vector.shape_cast %max3A_189 : vector<16xf32> to vector<1x16xf32>
        tpu.vector_store %arg13[%swap3A_190, %swap3A_191], %swap3A_194 {strides = array<i32>} : memref<80x128xf32, #tpu.memory_space<vmem>>, vector<1x16xf32>,
        %get3A_195 = arith.index_cast %add3A_127 : i32 to index
        %get3A_196 = arith.constant 64 : index
        %get3A_197 = tpu.vector_load %arg13[%get3A_195, %get3A_196] {strides = array<i32>} : memref<80x128xf32, #tpu.memory_space<vmem>>, vector<1x16xf32>,
        %get3A_198 = vector.shape_cast %get3A_197 : vector<1x16xf32> to vector<16xf32>
        %get3A_199 = arith.index_cast %add3A_127 : i32 to index
        %get3A_200 = arith.constant 64 : index
        %get3A_201 = tpu.vector_load %arg14[%get3A_199, %get3A_200] {strides = array<i32>} : memref<80x128xf32, #tpu.memory_space<vmem>>, vector<1x16xf32>,
        %get3A_202 = vector.shape_cast %get3A_201 : vector<1x16xf32> to vector<16xf32>
        %add3A_203 = arith.addf %get3A_198, %get3A_202 : vector<16xf32>
        %max3A_204 = arith.constant 0.000000e+00 : f32
        %max3A_205 = vector.broadcast %max3A_204 : f32 to vector<16xf32>
        %max3A_206 = arith.maximumf %add3A_203, %max3A_205 : vector<16xf32>
        %swap3A_207 = arith.index_cast %add3A_127 : i32 to index
        %swap3A_208 = arith.constant 64 : index
        %swap3A_209 = tpu.vector_load %arg13[%swap3A_207, %swap3A_208] {strides = array<i32>} : memref<80x128xf32, #tpu.memory_space<vmem>>, vector<1x16xf32>,
        %swap3A_210 = vector.shape_cast %swap3A_209 : vector<1x16xf32> to vector<16xf32>
        %swap3A_211 = vector.shape_cast %max3A_206 : vector<16xf32> to vector<1x16xf32>
        tpu.vector_store %arg13[%swap3A_207, %swap3A_208], %swap3A_211 {strides = array<i32>} : memref<80x128xf32, #tpu.memory_space<vmem>>, vector<1x16xf32>,
        %get3A_212 = arith.index_cast %add3A_127 : i32 to index
        %get3A_213 = arith.constant 80 : index
        %get3A_214 = tpu.vector_load %arg13[%get3A_212, %get3A_213] {strides = array<i32>} : memref<80x128xf32, #tpu.memory_space<vmem>>, vector<1x16xf32>,
        %get3A_215 = vector.shape_cast %get3A_214 : vector<1x16xf32> to vector<16xf32>
        %get3A_216 = arith.index_cast %add3A_127 : i32 to index
        %get3A_217 = arith.constant 80 : index
        %get3A_218 = tpu.vector_load %arg14[%get3A_216, %get3A_217] {strides = array<i32>} : memref<80x128xf32, #tpu.memory_space<vmem>>, vector<1x16xf32>,
        %get3A_219 = vector.shape_cast %get3A_218 : vector<1x16xf32> to vector<16xf32>
        %add3A_220 = arith.addf %get3A_215, %get3A_219 : vector<16xf32>
        %max3A_221 = arith.constant 0.000000e+00 : f32
        %max3A_222 = vector.broadcast %max3A_221 : f32 to vector<16xf32>
        %max3A_223 = arith.maximumf %add3A_220, %max3A_222 : vector<16xf32>
        %swap3A_224 = arith.index_cast %add3A_127 : i32 to index
        %swap3A_225 = arith.constant 80 : index
        %swap3A_226 = tpu.vector_load %arg13[%swap3A_224, %swap3A_225] {strides = array<i32>} : memref<80x128xf32, #tpu.memory_space<vmem>>, vector<1x16xf32>,
        %swap3A_227 = vector.shape_cast %swap3A_226 : vector<1x16xf32> to vector<16xf32>
        %swap3A_228 = vector.shape_cast %max3A_223 : vector<16xf32> to vector<1x16xf32>
        tpu.vector_store %arg13[%swap3A_224, %swap3A_225], %swap3A_228 {strides = array<i32>} : memref<80x128xf32, #tpu.memory_space<vmem>>, vector<1x16xf32>,
        %get3A_229 = arith.index_cast %add3A_127 : i32 to index
        %get3A_230 = arith.constant 96 : index
        %get3A_231 = tpu.vector_load %arg13[%get3A_229, %get3A_230] {strides = array<i32>} : memref<80x128xf32, #tpu.memory_space<vmem>>, vector<1x16xf32>,
        %get3A_232 = vector.shape_cast %get3A_231 : vector<1x16xf32> to vector<16xf32>
        %get3A_233 = arith.index_cast %add3A_127 : i32 to index
        %get3A_234 = arith.constant 96 : index
        %get3A_235 = tpu.vector_load %arg14[%get3A_233, %get3A_234] {strides = array<i32>} : memref<80x128xf32, #tpu.memory_space<vmem>>, vector<1x16xf32>,
        %get3A_236 = vector.shape_cast %get3A_235 : vector<1x16xf32> to vector<16xf32>
        %add3A_237 = arith.addf %get3A_232, %get3A_236 : vector<16xf32>
        %max3A_238 = arith.constant 0.000000e+00 : f32
        %max3A_239 = vector.broadcast %max3A_238 : f32 to vector<16xf32>
        %max3A_240 = arith.maximumf %add3A_237, %max3A_239 : vector<16xf32>
        %swap3A_241 = arith.index_cast %add3A_127 : i32 to index
        %swap3A_242 = arith.constant 96 : index
        %swap3A_243 = tpu.vector_load %arg13[%swap3A_241, %swap3A_242] {strides = array<i32>} : memref<80x128xf32, #tpu.memory_space<vmem>>, vector<1x16xf32>,
        %swap3A_244 = vector.shape_cast %swap3A_243 : vector<1x16xf32> to vector<16xf32>
        %swap3A_245 = vector.shape_cast %max3A_240 : vector<16xf32> to vector<1x16xf32>
        tpu.vector_store %arg13[%swap3A_241, %swap3A_242], %swap3A_245 {strides = array<i32>} : memref<80x128xf32, #tpu.memory_space<vmem>>, vector<1x16xf32>,
        %get3A_246 = arith.index_cast %add3A_127 : i32 to index
        %get3A_247 = arith.constant 112 : index
        %get3A_248 = tpu.vector_load %arg13[%get3A_246, %get3A_247] {strides = array<i32>} : memref<80x128xf32, #tpu.memory_space<vmem>>, vector<1x16xf32>,
        %get3A_249 = vector.shape_cast %get3A_248 : vector<1x16xf32> to vector<16xf32>
        %get3A_250 = arith.index_cast %add3A_127 : i32 to index
        %get3A_251 = arith.constant 112 : index
        %get3A_252 = tpu.vector_load %arg14[%get3A_250, %get3A_251] {strides = array<i32>} : memref<80x128xf32, #tpu.memory_space<vmem>>, vector<1x16xf32>,
        %get3A_253 = vector.shape_cast %get3A_252 : vector<1x16xf32> to vector<16xf32>
        %add3A_254 = arith.addf %get3A_249, %get3A_253 : vector<16xf32>
        %max3A_255 = arith.constant 0.000000e+00 : f32
        %max3A_256 = vector.broadcast %max3A_255 : f32 to vector<16xf32>
        %max3A_257 = arith.maximumf %add3A_254, %max3A_256 : vector<16xf32>
        %swap3A_258 = arith.index_cast %add3A_127 : i32 to index
        %swap3A_259 = arith.constant 112 : index
        %swap3A_260 = tpu.vector_load %arg13[%swap3A_258, %swap3A_259] {strides = array<i32>} : memref<80x128xf32, #tpu.memory_space<vmem>>, vector<1x16xf32>,
        %swap3A_261 = vector.shape_cast %swap3A_260 : vector<1x16xf32> to vector<16xf32>
        %swap3A_262 = vector.shape_cast %max3A_257 : vector<16xf32> to vector<1x16xf32>
        tpu.vector_store %arg13[%swap3A_258, %swap3A_259], %swap3A_262 {strides = array<i32>} : memref<80x128xf32, #tpu.memory_space<vmem>>, vector<1x16xf32>,
      }
      %scan3A_122 = arith.constant 80 : i32
      "tpu.region"() ({
        %run_scoped3A = tpu.sem_alloc : memref<!tpu.dma_semaphore, #tpu.memory_space<semaphore_mem>>
        %dma_start3A_123 = arith.constant 0 : i32
        %dma_start3A_124 = arith.constant 0 : i32
        %dma_start3A_125 = tpu.memref_slice %arg8[%dma_start3A_123, %dma_start3A_124] : memref<10240x128xf32, #tpu.memory_space<vmem_shared>> -> memref<10240x128xf32, #tpu.memory_space<vmem_shared>>
        tpu.enqueue_indirect_dma source(%arg13 : memref<80x128xf32, #tpu.memory_space<vmem>>) target(%dma_start3A_125 : memref<10240x128xf32, #tpu.memory_space<vmem_shared>>) offsets(%arg10 : memref<80xi32, #tpu.memory_space<vmem>>) semaphore(%run_scoped3A : memref<!tpu.dma_semaphore, #tpu.memory_space<semaphore_mem>>) {add = true}
        %dma_wait3A_126 = arith.constant 0 : i32
        %dma_wait3A_127 = arith.constant 0 : i32
        %dma_wait3A_128 = tpu.memref_slice %arg8[%dma_wait3A_126, %dma_wait3A_127] : memref<10240x128xf32, #tpu.memory_space<vmem_shared>> -> memref<10240x128xf32, #tpu.memory_space<vmem_shared>>
        tpu.wait_indirect_dma semaphore(%run_scoped3A : memref<!tpu.dma_semaphore, #tpu.memory_space<semaphore_mem>>) src(%arg13 : memref<80x128xf32, #tpu.memory_space<vmem>>) dst(%dma_wait3A_128 : memref<10240x128xf32, #tpu.memory_space<vmem_shared>>)
        tpu.yield
      }) : () -> ()
    }
    %scan3A_8 = arith.constant 250 : i32
    %barrier3A_9 = arith.constant 0 : index
    tpu.barrier barrier_id(%barrier3A_9)
    %add3A = arith.addi %mul3A_4, %mul3A_0 : i32
    "tpu.region"() ({
      %run_scoped3A = tpu.sem_alloc : memref<!tpu.dma_semaphore, #tpu.memory_space<semaphore_mem>>
      %dma_start3A = arith.constant 0 : i32
      %dma_start3A_10 = tpu.memref_slice %arg7[%add3A, %dma_start3A] : memref<20480x128xf32, #tpu.memory_space<hbm>> -> memref<640x128xf32, #tpu.memory_space<hbm>>
      %dma_start3A_11 = arith.constant 0 : i32
      %dma_start3A_12 = tpu.memref_slice %arg8[%mul3A_0, %dma_start3A_11] : memref<10240x128xf32, #tpu.memory_space<vmem_shared>> -> memref<640x128xf32, #tpu.memory_space<vmem_shared>>
      tpu.enqueue_dma source(%dma_start3A_12 : memref<640x128xf32, #tpu.memory_space<vmem_shared>>) target(%dma_start3A_10 : memref<640x128xf32, #tpu.memory_space<hbm>>) target_semaphore(%run_scoped3A : memref<!tpu.dma_semaphore, #tpu.memory_space<semaphore_mem>>)
      %dma_wait3A = arith.constant 0 : i32
      %dma_wait3A_13 = tpu.memref_slice %arg7[%add3A, %dma_wait3A] : memref<20480x128xf32, #tpu.memory_space<hbm>> -> memref<640x128xf32, #tpu.memory_space<hbm>>
      %dma_wait3A_14 = arith.constant 0 : i32
      %dma_wait3A_15 = tpu.memref_slice %arg8[%mul3A_0, %dma_wait3A_14] : memref<10240x128xf32, #tpu.memory_space<vmem_shared>> -> memref<640x128xf32, #tpu.memory_space<vmem_shared>>
      tpu.wait_dma2 semaphore(%run_scoped3A : memref<!tpu.dma_semaphore, #tpu.memory_space<semaphore_mem>>) src(%dma_wait3A_15 : memref<640x128xf32, #tpu.memory_space<vmem_shared>>) dst(%dma_wait3A_13 : memref<640x128xf32, #tpu.memory_space<hbm>>)
      tpu.yield
    }) : () -> ()
    return
  }
}

#map = affine_map<(d0, d1) -> (0, 0)>
#map1 = affine_map<(d0, d1) -> (0)>
module attributes {stable_mosaic.version = 14 : i64} {
  func.func @sc_layer(%arg0: i32, %arg1: i32, %arg2: memref<20000x128xf32, #tpu.memory_space<hbm>>, %arg3: memref<20000x128xf32, #tpu.memory_space<hbm>>, %arg4: memref<320000xi32, #tpu.memory_space<hbm>>, %arg5: memref<320000xi32, #tpu.memory_space<hbm>>, %arg6: memref<640x128xf32, #tpu.memory_space<hbm>>, %arg7: memref<20480x128xf32, #tpu.memory_space<hbm>>, %arg8: memref<10240x128xf32, #tpu.memory_space<vmem_shared>>, %arg9: memref<80xi32, #tpu.memory_space<vmem>>, %arg10: memref<80xi32, #tpu.memory_space<vmem>>, %arg11: memref<80xi32, #tpu.memory_space<vmem>>, %arg12: memref<80xi32, #tpu.memory_space<vmem>>, %arg13: memref<80x128xf32, #tpu.memory_space<vmem>>, %arg14: memref<80x128xf32, #tpu.memory_space<vmem>>, %arg15: memref<!tpu.dma_semaphore, #tpu.memory_space<semaphore_mem>>, %arg16: memref<!tpu.dma_semaphore, #tpu.memory_space<semaphore_mem>>) attributes {dimension_semantics = [#tpu.dimension_semantics<core_parallel>, #tpu.dimension_semantics<subcore_parallel>], iteration_bounds = array<i64: 2, 16>, scalar_prefetch = 0 : i64, scratch_operands = 9 : i64, tpu.core_type = #tpu.core_type<sc_vector_subcore>, window_params = [{transform_indices = #map}, {transform_indices = #map}, {transform_indices = #map1}, {transform_indices = #map1}, {transform_indices = #map}, {transform_indices = #map}]} {
    %mul3A = arith.constant 640 : i32
    %mul3A_0 = arith.muli %arg1, %mul3A : i32
    %mul3A_1 = arith.constant 10000 : i32
    %mul3A_2 = arith.muli %arg0, %mul3A_1 : i32
    %mul3A_3 = arith.constant 10240 : i32
    %mul3A_4 = arith.muli %arg0, %mul3A_3 : i32
    "tpu.region"() ({
      %run_scoped3A = tpu.sem_alloc : memref<!tpu.dma_semaphore, #tpu.memory_space<semaphore_mem>>
      %dma_start3A = arith.constant 0 : i32
      %dma_start3A_10 = tpu.memref_slice %arg8[%mul3A_0, %dma_start3A] : memref<10240x128xf32, #tpu.memory_space<vmem_shared>> -> memref<640x128xf32, #tpu.memory_space<vmem_shared>>
      tpu.enqueue_dma source(%arg6 : memref<640x128xf32, #tpu.memory_space<hbm>>) target(%dma_start3A_10 : memref<640x128xf32, #tpu.memory_space<vmem_shared>>) target_semaphore(%run_scoped3A : memref<!tpu.dma_semaphore, #tpu.memory_space<semaphore_mem>>)
      %dma_wait3A = arith.constant 0 : i32
      %dma_wait3A_11 = tpu.memref_slice %arg8[%mul3A_0, %dma_wait3A] : memref<10240x128xf32, #tpu.memory_space<vmem_shared>> -> memref<640x128xf32, #tpu.memory_space<vmem_shared>>
      tpu.wait_dma2 semaphore(%run_scoped3A : memref<!tpu.dma_semaphore, #tpu.memory_space<semaphore_mem>>) src(%arg6 : memref<640x128xf32, #tpu.memory_space<hbm>>) dst(%dma_wait3A_11 : memref<640x128xf32, #tpu.memory_space<vmem_shared>>)
      tpu.yield
    }) : () -> ()
    %barrier3A = arith.constant 0 : index
    tpu.barrier barrier_id(%barrier3A)
    %scan3A = arith.constant 0 : i32
    %scan3A_5 = arith.constant 250 : i32
    %scan3A_6 = arith.addi %scan3A, %scan3A_5 : i32
    %scan3A_7 = arith.constant 1 : i32
    scf.for %scan3A_10 = %scan3A to %scan3A_6 step %scan3A_7  : i32 {
      %mul3A_11 = arith.constant 1 : i32
      %mul3A_12 = arith.muli %scan3A_10, %mul3A_11 : i32
      %add3A_13 = arith.constant 0 : i32
      %add3A_14 = arith.addi %add3A_13, %mul3A_12 : i32
      %mul3A_15 = arith.constant 20000 : i32
      %mul3A_16 = arith.muli %arg1, %mul3A_15 : i32
      %mul3A_17 = arith.constant 80 : i32
      %mul3A_18 = arith.muli %add3A_14, %mul3A_17 : i32
      %add3A_19 = arith.addi %mul3A_16, %mul3A_18 : i32
      "tpu.region"() ({
        %run_scoped3A = tpu.sem_alloc : memref<!tpu.dma_semaphore, #tpu.memory_space<semaphore_mem>>
        %dma_start3A_123 = tpu.memref_slice %arg4[%add3A_19] : memref<320000xi32, #tpu.memory_space<hbm>> -> memref<80xi32, #tpu.memory_space<hbm>>
        %dma_start3A_124 = tpu.memref_slice %arg4[%add3A_19] : memref<320000xi32, #tpu.memory_space<hbm>> -> memref<80xi32, #tpu.memory_space<hbm>>
        tpu.enqueue_dma source(%dma_start3A_124 : memref<80xi32, #tpu.memory_space<hbm>>) target(%arg9 : memref<80xi32, #tpu.memory_space<vmem>>) target_semaphore(%run_scoped3A : memref<!tpu.dma_semaphore, #tpu.memory_space<semaphore_mem>>)
        %dma_wait3A_125 = tpu.memref_slice %arg4[%add3A_19] : memref<320000xi32, #tpu.memory_space<hbm>> -> memref<80xi32, #tpu.memory_space<hbm>>
        %dma_wait3A_126 = tpu.memref_slice %arg4[%add3A_19] : memref<320000xi32, #tpu.memory_space<hbm>> -> memref<80xi32, #tpu.memory_space<hbm>>
        tpu.wait_dma2 semaphore(%run_scoped3A : memref<!tpu.dma_semaphore, #tpu.memory_space<semaphore_mem>>) src(%dma_wait3A_126 : memref<80xi32, #tpu.memory_space<hbm>>) dst(%arg9 : memref<80xi32, #tpu.memory_space<vmem>>)
        tpu.yield
      }) : () -> ()
      "tpu.region"() ({
        %run_scoped3A = tpu.sem_alloc : memref<!tpu.dma_semaphore, #tpu.memory_space<semaphore_mem>>
        %dma_start3A_123 = tpu.memref_slice %arg5[%add3A_19] : memref<320000xi32, #tpu.memory_space<hbm>> -> memref<80xi32, #tpu.memory_space<hbm>>
        %dma_start3A_124 = tpu.memref_slice %arg5[%add3A_19] : memref<320000xi32, #tpu.memory_space<hbm>> -> memref<80xi32, #tpu.memory_space<hbm>>
        tpu.enqueue_dma source(%dma_start3A_124 : memref<80xi32, #tpu.memory_space<hbm>>) target(%arg10 : memref<80xi32, #tpu.memory_space<vmem>>) target_semaphore(%run_scoped3A : memref<!tpu.dma_semaphore, #tpu.memory_space<semaphore_mem>>)
        %dma_wait3A_125 = tpu.memref_slice %arg5[%add3A_19] : memref<320000xi32, #tpu.memory_space<hbm>> -> memref<80xi32, #tpu.memory_space<hbm>>
        %dma_wait3A_126 = tpu.memref_slice %arg5[%add3A_19] : memref<320000xi32, #tpu.memory_space<hbm>> -> memref<80xi32, #tpu.memory_space<hbm>>
        tpu.wait_dma2 semaphore(%run_scoped3A : memref<!tpu.dma_semaphore, #tpu.memory_space<semaphore_mem>>) src(%dma_wait3A_126 : memref<80xi32, #tpu.memory_space<hbm>>) dst(%arg10 : memref<80xi32, #tpu.memory_space<vmem>>)
        tpu.yield
      }) : () -> ()
      %get3A = arith.constant 0 : index
      %get3A_20 = tpu.vector_load %arg9[%get3A] {strides = array<i32>} : memref<80xi32, #tpu.memory_space<vmem>>, vector<16xi32>,
      %get3A_21 = vector.shape_cast %get3A_20 : vector<16xi32> to vector<16xi32>
      %add3A_22 = vector.broadcast %mul3A_2 : i32 to vector<16xi32>
      %add3A_23 = arith.addi %get3A_21, %add3A_22 : vector<16xi32>
      %swap3A = arith.constant 0 : index
      %swap3A_24 = tpu.vector_load %arg11[%swap3A] {strides = array<i32>} : memref<80xi32, #tpu.memory_space<vmem>>, vector<16xi32>,
      %swap3A_25 = vector.shape_cast %swap3A_24 : vector<16xi32> to vector<16xi32>
      %swap3A_26 = vector.shape_cast %add3A_23 : vector<16xi32> to vector<16xi32>
      tpu.vector_store %arg11[%swap3A], %swap3A_26 {strides = array<i32>} : memref<80xi32, #tpu.memory_space<vmem>>, vector<16xi32>,
      %get3A_27 = arith.constant 0 : index
      %get3A_28 = tpu.vector_load %arg10[%get3A_27] {strides = array<i32>} : memref<80xi32, #tpu.memory_space<vmem>>, vector<16xi32>,
      %get3A_29 = vector.shape_cast %get3A_28 : vector<16xi32> to vector<16xi32>
      %add3A_30 = vector.broadcast %mul3A_2 : i32 to vector<16xi32>
      %add3A_31 = arith.addi %get3A_29, %add3A_30 : vector<16xi32>
      %swap3A_32 = arith.constant 0 : index
      %swap3A_33 = tpu.vector_load %arg12[%swap3A_32] {strides = array<i32>} : memref<80xi32, #tpu.memory_space<vmem>>, vector<16xi32>,
      %swap3A_34 = vector.shape_cast %swap3A_33 : vector<16xi32> to vector<16xi32>
      %swap3A_35 = vector.shape_cast %add3A_31 : vector<16xi32> to vector<16xi32>
      tpu.vector_store %arg12[%swap3A_32], %swap3A_35 {strides = array<i32>} : memref<80xi32, #tpu.memory_space<vmem>>, vector<16xi32>,
      %get3A_36 = arith.constant 16 : index
      %get3A_37 = tpu.vector_load %arg9[%get3A_36] {strides = array<i32>} : memref<80xi32, #tpu.memory_space<vmem>>, vector<16xi32>,
      %get3A_38 = vector.shape_cast %get3A_37 : vector<16xi32> to vector<16xi32>
      %add3A_39 = vector.broadcast %mul3A_2 : i32 to vector<16xi32>
      %add3A_40 = arith.addi %get3A_38, %add3A_39 : vector<16xi32>
      %swap3A_41 = arith.constant 16 : index
      %swap3A_42 = tpu.vector_load %arg11[%swap3A_41] {strides = array<i32>} : memref<80xi32, #tpu.memory_space<vmem>>, vector<16xi32>,
      %swap3A_43 = vector.shape_cast %swap3A_42 : vector<16xi32> to vector<16xi32>
      %swap3A_44 = vector.shape_cast %add3A_40 : vector<16xi32> to vector<16xi32>
      tpu.vector_store %arg11[%swap3A_41], %swap3A_44 {strides = array<i32>} : memref<80xi32, #tpu.memory_space<vmem>>, vector<16xi32>,
      %get3A_45 = arith.constant 16 : index
      %get3A_46 = tpu.vector_load %arg10[%get3A_45] {strides = array<i32>} : memref<80xi32, #tpu.memory_space<vmem>>, vector<16xi32>,
      %get3A_47 = vector.shape_cast %get3A_46 : vector<16xi32> to vector<16xi32>
      %add3A_48 = vector.broadcast %mul3A_2 : i32 to vector<16xi32>
      %add3A_49 = arith.addi %get3A_47, %add3A_48 : vector<16xi32>
      %swap3A_50 = arith.constant 16 : index
      %swap3A_51 = tpu.vector_load %arg12[%swap3A_50] {strides = array<i32>} : memref<80xi32, #tpu.memory_space<vmem>>, vector<16xi32>,
      %swap3A_52 = vector.shape_cast %swap3A_51 : vector<16xi32> to vector<16xi32>
      %swap3A_53 = vector.shape_cast %add3A_49 : vector<16xi32> to vector<16xi32>
      tpu.vector_store %arg12[%swap3A_50], %swap3A_53 {strides = array<i32>} : memref<80xi32, #tpu.memory_space<vmem>>, vector<16xi32>,
      %get3A_54 = arith.constant 32 : index
      %get3A_55 = tpu.vector_load %arg9[%get3A_54] {strides = array<i32>} : memref<80xi32, #tpu.memory_space<vmem>>, vector<16xi32>,
      %get3A_56 = vector.shape_cast %get3A_55 : vector<16xi32> to vector<16xi32>
      %add3A_57 = vector.broadcast %mul3A_2 : i32 to vector<16xi32>
      %add3A_58 = arith.addi %get3A_56, %add3A_57 : vector<16xi32>
      %swap3A_59 = arith.constant 32 : index
      %swap3A_60 = tpu.vector_load %arg11[%swap3A_59] {strides = array<i32>} : memref<80xi32, #tpu.memory_space<vmem>>, vector<16xi32>,
      %swap3A_61 = vector.shape_cast %swap3A_60 : vector<16xi32> to vector<16xi32>
      %swap3A_62 = vector.shape_cast %add3A_58 : vector<16xi32> to vector<16xi32>
      tpu.vector_store %arg11[%swap3A_59], %swap3A_62 {strides = array<i32>} : memref<80xi32, #tpu.memory_space<vmem>>, vector<16xi32>,
      %get3A_63 = arith.constant 32 : index
      %get3A_64 = tpu.vector_load %arg10[%get3A_63] {strides = array<i32>} : memref<80xi32, #tpu.memory_space<vmem>>, vector<16xi32>,
      %get3A_65 = vector.shape_cast %get3A_64 : vector<16xi32> to vector<16xi32>
      %add3A_66 = vector.broadcast %mul3A_2 : i32 to vector<16xi32>
      %add3A_67 = arith.addi %get3A_65, %add3A_66 : vector<16xi32>
      %swap3A_68 = arith.constant 32 : index
      %swap3A_69 = tpu.vector_load %arg12[%swap3A_68] {strides = array<i32>} : memref<80xi32, #tpu.memory_space<vmem>>, vector<16xi32>,
      %swap3A_70 = vector.shape_cast %swap3A_69 : vector<16xi32> to vector<16xi32>
      %swap3A_71 = vector.shape_cast %add3A_67 : vector<16xi32> to vector<16xi32>
      tpu.vector_store %arg12[%swap3A_68], %swap3A_71 {strides = array<i32>} : memref<80xi32, #tpu.memory_space<vmem>>, vector<16xi32>,
      %get3A_72 = arith.constant 48 : index
      %get3A_73 = tpu.vector_load %arg9[%get3A_72] {strides = array<i32>} : memref<80xi32, #tpu.memory_space<vmem>>, vector<16xi32>,
      %get3A_74 = vector.shape_cast %get3A_73 : vector<16xi32> to vector<16xi32>
      %add3A_75 = vector.broadcast %mul3A_2 : i32 to vector<16xi32>
      %add3A_76 = arith.addi %get3A_74, %add3A_75 : vector<16xi32>
      %swap3A_77 = arith.constant 48 : index
      %swap3A_78 = tpu.vector_load %arg11[%swap3A_77] {strides = array<i32>} : memref<80xi32, #tpu.memory_space<vmem>>, vector<16xi32>,
      %swap3A_79 = vector.shape_cast %swap3A_78 : vector<16xi32> to vector<16xi32>
      %swap3A_80 = vector.shape_cast %add3A_76 : vector<16xi32> to vector<16xi32>
      tpu.vector_store %arg11[%swap3A_77], %swap3A_80 {strides = array<i32>} : memref<80xi32, #tpu.memory_space<vmem>>, vector<16xi32>,
      %get3A_81 = arith.constant 48 : index
      %get3A_82 = tpu.vector_load %arg10[%get3A_81] {strides = array<i32>} : memref<80xi32, #tpu.memory_space<vmem>>, vector<16xi32>,
      %get3A_83 = vector.shape_cast %get3A_82 : vector<16xi32> to vector<16xi32>
      %add3A_84 = vector.broadcast %mul3A_2 : i32 to vector<16xi32>
      %add3A_85 = arith.addi %get3A_83, %add3A_84 : vector<16xi32>
      %swap3A_86 = arith.constant 48 : index
      %swap3A_87 = tpu.vector_load %arg12[%swap3A_86] {strides = array<i32>} : memref<80xi32, #tpu.memory_space<vmem>>, vector<16xi32>,
      %swap3A_88 = vector.shape_cast %swap3A_87 : vector<16xi32> to vector<16xi32>
      %swap3A_89 = vector.shape_cast %add3A_85 : vector<16xi32> to vector<16xi32>
      tpu.vector_store %arg12[%swap3A_86], %swap3A_89 {strides = array<i32>} : memref<80xi32, #tpu.memory_space<vmem>>, vector<16xi32>,
      %get3A_90 = arith.constant 64 : index
      %get3A_91 = tpu.vector_load %arg9[%get3A_90] {strides = array<i32>} : memref<80xi32, #tpu.memory_space<vmem>>, vector<16xi32>,
      %get3A_92 = vector.shape_cast %get3A_91 : vector<16xi32> to vector<16xi32>
      %add3A_93 = vector.broadcast %mul3A_2 : i32 to vector<16xi32>
      %add3A_94 = arith.addi %get3A_92, %add3A_93 : vector<16xi32>
      %swap3A_95 = arith.constant 64 : index
      %swap3A_96 = tpu.vector_load %arg11[%swap3A_95] {strides = array<i32>} : memref<80xi32, #tpu.memory_space<vmem>>, vector<16xi32>,
      %swap3A_97 = vector.shape_cast %swap3A_96 : vector<16xi32> to vector<16xi32>
      %swap3A_98 = vector.shape_cast %add3A_94 : vector<16xi32> to vector<16xi32>
      tpu.vector_store %arg11[%swap3A_95], %swap3A_98 {strides = array<i32>} : memref<80xi32, #tpu.memory_space<vmem>>, vector<16xi32>,
      %get3A_99 = arith.constant 64 : index
      %get3A_100 = tpu.vector_load %arg10[%get3A_99] {strides = array<i32>} : memref<80xi32, #tpu.memory_space<vmem>>, vector<16xi32>,
      %get3A_101 = vector.shape_cast %get3A_100 : vector<16xi32> to vector<16xi32>
      %add3A_102 = vector.broadcast %mul3A_2 : i32 to vector<16xi32>
      %add3A_103 = arith.addi %get3A_101, %add3A_102 : vector<16xi32>
      %swap3A_104 = arith.constant 64 : index
      %swap3A_105 = tpu.vector_load %arg12[%swap3A_104] {strides = array<i32>} : memref<80xi32, #tpu.memory_space<vmem>>, vector<16xi32>,
      %swap3A_106 = vector.shape_cast %swap3A_105 : vector<16xi32> to vector<16xi32>
      %swap3A_107 = vector.shape_cast %add3A_103 : vector<16xi32> to vector<16xi32>
      tpu.vector_store %arg12[%swap3A_104], %swap3A_107 {strides = array<i32>} : memref<80xi32, #tpu.memory_space<vmem>>, vector<16xi32>,
      %dma_start3A = arith.constant 0 : i32
      %dma_start3A_108 = arith.constant 0 : i32
      %dma_start3A_109 = tpu.memref_slice %arg2[%dma_start3A, %dma_start3A_108] : memref<20000x128xf32, #tpu.memory_space<hbm>> -> memref<20000x128xf32, #tpu.memory_space<hbm>>
      tpu.enqueue_indirect_dma source(%dma_start3A_109 : memref<20000x128xf32, #tpu.memory_space<hbm>>) target(%arg13 : memref<80x128xf32, #tpu.memory_space<vmem>>) offsets(%arg11 : memref<80xi32, #tpu.memory_space<vmem>>) semaphore(%arg15 : memref<!tpu.dma_semaphore, #tpu.memory_space<semaphore_mem>>)
      %dma_start3A_110 = arith.constant 0 : i32
      %dma_start3A_111 = arith.constant 0 : i32
      %dma_start3A_112 = tpu.memref_slice %arg3[%dma_start3A_110, %dma_start3A_111] : memref<20000x128xf32, #tpu.memory_space<hbm>> -> memref<20000x128xf32, #tpu.memory_space<hbm>>
      tpu.enqueue_indirect_dma source(%dma_start3A_112 : memref<20000x128xf32, #tpu.memory_space<hbm>>) target(%arg14 : memref<80x128xf32, #tpu.memory_space<vmem>>) offsets(%arg12 : memref<80xi32, #tpu.memory_space<vmem>>) semaphore(%arg16 : memref<!tpu.dma_semaphore, #tpu.memory_space<semaphore_mem>>)
      %dma_wait3A = arith.constant 0 : i32
      %dma_wait3A_113 = arith.constant 0 : i32
      %dma_wait3A_114 = tpu.memref_slice %arg2[%dma_wait3A, %dma_wait3A_113] : memref<20000x128xf32, #tpu.memory_space<hbm>> -> memref<20000x128xf32, #tpu.memory_space<hbm>>
      tpu.wait_indirect_dma semaphore(%arg15 : memref<!tpu.dma_semaphore, #tpu.memory_space<semaphore_mem>>) src(%dma_wait3A_114 : memref<20000x128xf32, #tpu.memory_space<hbm>>) dst(%arg13 : memref<80x128xf32, #tpu.memory_space<vmem>>)
      %dma_wait3A_115 = arith.constant 0 : i32
      %dma_wait3A_116 = arith.constant 0 : i32
      %dma_wait3A_117 = tpu.memref_slice %arg3[%dma_wait3A_115, %dma_wait3A_116] : memref<20000x128xf32, #tpu.memory_space<hbm>> -> memref<20000x128xf32, #tpu.memory_space<hbm>>
      tpu.wait_indirect_dma semaphore(%arg16 : memref<!tpu.dma_semaphore, #tpu.memory_space<semaphore_mem>>) src(%dma_wait3A_117 : memref<20000x128xf32, #tpu.memory_space<hbm>>) dst(%arg14 : memref<80x128xf32, #tpu.memory_space<vmem>>)
      %scan3A_118 = arith.constant 0 : i32
      %scan3A_119 = arith.constant 80 : i32
      %scan3A_120 = arith.addi %scan3A_118, %scan3A_119 : i32
      %scan3A_121 = arith.constant 1 : i32
      scf.for %scan3A_123 = %scan3A_118 to %scan3A_120 step %scan3A_121  : i32 {
        %mul3A_124 = arith.constant 1 : i32
        %mul3A_125 = arith.muli %scan3A_123, %mul3A_124 : i32
        %add3A_126 = arith.constant 0 : i32
        %add3A_127 = arith.addi %add3A_126, %mul3A_125 : i32
        %get3A_128 = arith.index_cast %add3A_127 : i32 to index
        %get3A_129 = arith.constant 0 : index
        %get3A_130 = tpu.vector_load %arg13[%get3A_128, %get3A_129] {strides = array<i32>} : memref<80x128xf32, #tpu.memory_space<vmem>>, vector<1x16xf32>,
        %get3A_131 = vector.shape_cast %get3A_130 : vector<1x16xf32> to vector<16xf32>
        %get3A_132 = arith.index_cast %add3A_127 : i32 to index
        %get3A_133 = arith.constant 0 : index
        %get3A_134 = tpu.vector_load %arg14[%get3A_132, %get3A_133] {strides = array<i32>} : memref<80x128xf32, #tpu.memory_space<vmem>>, vector<1x16xf32>,
        %get3A_135 = vector.shape_cast %get3A_134 : vector<1x16xf32> to vector<16xf32>
        %add3A_136 = arith.addf %get3A_131, %get3A_135 : vector<16xf32>
        %max3A = arith.constant 0.000000e+00 : f32
        %max3A_137 = vector.broadcast %max3A : f32 to vector<16xf32>
        %max3A_138 = arith.maximumf %add3A_136, %max3A_137 : vector<16xf32>
        %swap3A_139 = arith.index_cast %add3A_127 : i32 to index
        %swap3A_140 = arith.constant 0 : index
        %swap3A_141 = tpu.vector_load %arg13[%swap3A_139, %swap3A_140] {strides = array<i32>} : memref<80x128xf32, #tpu.memory_space<vmem>>, vector<1x16xf32>,
        %swap3A_142 = vector.shape_cast %swap3A_141 : vector<1x16xf32> to vector<16xf32>
        %swap3A_143 = vector.shape_cast %max3A_138 : vector<16xf32> to vector<1x16xf32>
        tpu.vector_store %arg13[%swap3A_139, %swap3A_140], %swap3A_143 {strides = array<i32>} : memref<80x128xf32, #tpu.memory_space<vmem>>, vector<1x16xf32>,
        %get3A_144 = arith.index_cast %add3A_127 : i32 to index
        %get3A_145 = arith.constant 16 : index
        %get3A_146 = tpu.vector_load %arg13[%get3A_144, %get3A_145] {strides = array<i32>} : memref<80x128xf32, #tpu.memory_space<vmem>>, vector<1x16xf32>,
        %get3A_147 = vector.shape_cast %get3A_146 : vector<1x16xf32> to vector<16xf32>
        %get3A_148 = arith.index_cast %add3A_127 : i32 to index
        %get3A_149 = arith.constant 16 : index
        %get3A_150 = tpu.vector_load %arg14[%get3A_148, %get3A_149] {strides = array<i32>} : memref<80x128xf32, #tpu.memory_space<vmem>>, vector<1x16xf32>,
        %get3A_151 = vector.shape_cast %get3A_150 : vector<1x16xf32> to vector<16xf32>
        %add3A_152 = arith.addf %get3A_147, %get3A_151 : vector<16xf32>
        %max3A_153 = arith.constant 0.000000e+00 : f32
        %max3A_154 = vector.broadcast %max3A_153 : f32 to vector<16xf32>
        %max3A_155 = arith.maximumf %add3A_152, %max3A_154 : vector<16xf32>
        %swap3A_156 = arith.index_cast %add3A_127 : i32 to index
        %swap3A_157 = arith.constant 16 : index
        %swap3A_158 = tpu.vector_load %arg13[%swap3A_156, %swap3A_157] {strides = array<i32>} : memref<80x128xf32, #tpu.memory_space<vmem>>, vector<1x16xf32>,
        %swap3A_159 = vector.shape_cast %swap3A_158 : vector<1x16xf32> to vector<16xf32>
        %swap3A_160 = vector.shape_cast %max3A_155 : vector<16xf32> to vector<1x16xf32>
        tpu.vector_store %arg13[%swap3A_156, %swap3A_157], %swap3A_160 {strides = array<i32>} : memref<80x128xf32, #tpu.memory_space<vmem>>, vector<1x16xf32>,
        %get3A_161 = arith.index_cast %add3A_127 : i32 to index
        %get3A_162 = arith.constant 32 : index
        %get3A_163 = tpu.vector_load %arg13[%get3A_161, %get3A_162] {strides = array<i32>} : memref<80x128xf32, #tpu.memory_space<vmem>>, vector<1x16xf32>,
        %get3A_164 = vector.shape_cast %get3A_163 : vector<1x16xf32> to vector<16xf32>
        %get3A_165 = arith.index_cast %add3A_127 : i32 to index
        %get3A_166 = arith.constant 32 : index
        %get3A_167 = tpu.vector_load %arg14[%get3A_165, %get3A_166] {strides = array<i32>} : memref<80x128xf32, #tpu.memory_space<vmem>>, vector<1x16xf32>,
        %get3A_168 = vector.shape_cast %get3A_167 : vector<1x16xf32> to vector<16xf32>
        %add3A_169 = arith.addf %get3A_164, %get3A_168 : vector<16xf32>
        %max3A_170 = arith.constant 0.000000e+00 : f32
        %max3A_171 = vector.broadcast %max3A_170 : f32 to vector<16xf32>
        %max3A_172 = arith.maximumf %add3A_169, %max3A_171 : vector<16xf32>
        %swap3A_173 = arith.index_cast %add3A_127 : i32 to index
        %swap3A_174 = arith.constant 32 : index
        %swap3A_175 = tpu.vector_load %arg13[%swap3A_173, %swap3A_174] {strides = array<i32>} : memref<80x128xf32, #tpu.memory_space<vmem>>, vector<1x16xf32>,
        %swap3A_176 = vector.shape_cast %swap3A_175 : vector<1x16xf32> to vector<16xf32>
        %swap3A_177 = vector.shape_cast %max3A_172 : vector<16xf32> to vector<1x16xf32>
        tpu.vector_store %arg13[%swap3A_173, %swap3A_174], %swap3A_177 {strides = array<i32>} : memref<80x128xf32, #tpu.memory_space<vmem>>, vector<1x16xf32>,
        %get3A_178 = arith.index_cast %add3A_127 : i32 to index
        %get3A_179 = arith.constant 48 : index
        %get3A_180 = tpu.vector_load %arg13[%get3A_178, %get3A_179] {strides = array<i32>} : memref<80x128xf32, #tpu.memory_space<vmem>>, vector<1x16xf32>,
        %get3A_181 = vector.shape_cast %get3A_180 : vector<1x16xf32> to vector<16xf32>
        %get3A_182 = arith.index_cast %add3A_127 : i32 to index
        %get3A_183 = arith.constant 48 : index
        %get3A_184 = tpu.vector_load %arg14[%get3A_182, %get3A_183] {strides = array<i32>} : memref<80x128xf32, #tpu.memory_space<vmem>>, vector<1x16xf32>,
        %get3A_185 = vector.shape_cast %get3A_184 : vector<1x16xf32> to vector<16xf32>
        %add3A_186 = arith.addf %get3A_181, %get3A_185 : vector<16xf32>
        %max3A_187 = arith.constant 0.000000e+00 : f32
        %max3A_188 = vector.broadcast %max3A_187 : f32 to vector<16xf32>
        %max3A_189 = arith.maximumf %add3A_186, %max3A_188 : vector<16xf32>
        %swap3A_190 = arith.index_cast %add3A_127 : i32 to index
        %swap3A_191 = arith.constant 48 : index
        %swap3A_192 = tpu.vector_load %arg13[%swap3A_190, %swap3A_191] {strides = array<i32>} : memref<80x128xf32, #tpu.memory_space<vmem>>, vector<1x16xf32>,
        %swap3A_193 = vector.shape_cast %swap3A_192 : vector<1x16xf32> to vector<16xf32>
        %swap3A_194 = vector.shape_cast %max3A_189 : vector<16xf32> to vector<1x16xf32>
        tpu.vector_store %arg13[%swap3A_190, %swap3A_191], %swap3A_194 {strides = array<i32>} : memref<80x128xf32, #tpu.memory_space<vmem>>, vector<1x16xf32>,
        %get3A_195 = arith.index_cast %add3A_127 : i32 to index
        %get3A_196 = arith.constant 64 : index
        %get3A_197 = tpu.vector_load %arg13[%get3A_195, %get3A_196] {strides = array<i32>} : memref<80x128xf32, #tpu.memory_space<vmem>>, vector<1x16xf32>,
        %get3A_198 = vector.shape_cast %get3A_197 : vector<1x16xf32> to vector<16xf32>
        %get3A_199 = arith.index_cast %add3A_127 : i32 to index
        %get3A_200 = arith.constant 64 : index
        %get3A_201 = tpu.vector_load %arg14[%get3A_199, %get3A_200] {strides = array<i32>} : memref<80x128xf32, #tpu.memory_space<vmem>>, vector<1x16xf32>,
        %get3A_202 = vector.shape_cast %get3A_201 : vector<1x16xf32> to vector<16xf32>
        %add3A_203 = arith.addf %get3A_198, %get3A_202 : vector<16xf32>
        %max3A_204 = arith.constant 0.000000e+00 : f32
        %max3A_205 = vector.broadcast %max3A_204 : f32 to vector<16xf32>
        %max3A_206 = arith.maximumf %add3A_203, %max3A_205 : vector<16xf32>
        %swap3A_207 = arith.index_cast %add3A_127 : i32 to index
        %swap3A_208 = arith.constant 64 : index
        %swap3A_209 = tpu.vector_load %arg13[%swap3A_207, %swap3A_208] {strides = array<i32>} : memref<80x128xf32, #tpu.memory_space<vmem>>, vector<1x16xf32>,
        %swap3A_210 = vector.shape_cast %swap3A_209 : vector<1x16xf32> to vector<16xf32>
        %swap3A_211 = vector.shape_cast %max3A_206 : vector<16xf32> to vector<1x16xf32>
        tpu.vector_store %arg13[%swap3A_207, %swap3A_208], %swap3A_211 {strides = array<i32>} : memref<80x128xf32, #tpu.memory_space<vmem>>, vector<1x16xf32>,
        %get3A_212 = arith.index_cast %add3A_127 : i32 to index
        %get3A_213 = arith.constant 80 : index
        %get3A_214 = tpu.vector_load %arg13[%get3A_212, %get3A_213] {strides = array<i32>} : memref<80x128xf32, #tpu.memory_space<vmem>>, vector<1x16xf32>,
        %get3A_215 = vector.shape_cast %get3A_214 : vector<1x16xf32> to vector<16xf32>
        %get3A_216 = arith.index_cast %add3A_127 : i32 to index
        %get3A_217 = arith.constant 80 : index
        %get3A_218 = tpu.vector_load %arg14[%get3A_216, %get3A_217] {strides = array<i32>} : memref<80x128xf32, #tpu.memory_space<vmem>>, vector<1x16xf32>,
        %get3A_219 = vector.shape_cast %get3A_218 : vector<1x16xf32> to vector<16xf32>
        %add3A_220 = arith.addf %get3A_215, %get3A_219 : vector<16xf32>
        %max3A_221 = arith.constant 0.000000e+00 : f32
        %max3A_222 = vector.broadcast %max3A_221 : f32 to vector<16xf32>
        %max3A_223 = arith.maximumf %add3A_220, %max3A_222 : vector<16xf32>
        %swap3A_224 = arith.index_cast %add3A_127 : i32 to index
        %swap3A_225 = arith.constant 80 : index
        %swap3A_226 = tpu.vector_load %arg13[%swap3A_224, %swap3A_225] {strides = array<i32>} : memref<80x128xf32, #tpu.memory_space<vmem>>, vector<1x16xf32>,
        %swap3A_227 = vector.shape_cast %swap3A_226 : vector<1x16xf32> to vector<16xf32>
        %swap3A_228 = vector.shape_cast %max3A_223 : vector<16xf32> to vector<1x16xf32>
        tpu.vector_store %arg13[%swap3A_224, %swap3A_225], %swap3A_228 {strides = array<i32>} : memref<80x128xf32, #tpu.memory_space<vmem>>, vector<1x16xf32>,
        %get3A_229 = arith.index_cast %add3A_127 : i32 to index
        %get3A_230 = arith.constant 96 : index
        %get3A_231 = tpu.vector_load %arg13[%get3A_229, %get3A_230] {strides = array<i32>} : memref<80x128xf32, #tpu.memory_space<vmem>>, vector<1x16xf32>,
        %get3A_232 = vector.shape_cast %get3A_231 : vector<1x16xf32> to vector<16xf32>
        %get3A_233 = arith.index_cast %add3A_127 : i32 to index
        %get3A_234 = arith.constant 96 : index
        %get3A_235 = tpu.vector_load %arg14[%get3A_233, %get3A_234] {strides = array<i32>} : memref<80x128xf32, #tpu.memory_space<vmem>>, vector<1x16xf32>,
        %get3A_236 = vector.shape_cast %get3A_235 : vector<1x16xf32> to vector<16xf32>
        %add3A_237 = arith.addf %get3A_232, %get3A_236 : vector<16xf32>
        %max3A_238 = arith.constant 0.000000e+00 : f32
        %max3A_239 = vector.broadcast %max3A_238 : f32 to vector<16xf32>
        %max3A_240 = arith.maximumf %add3A_237, %max3A_239 : vector<16xf32>
        %swap3A_241 = arith.index_cast %add3A_127 : i32 to index
        %swap3A_242 = arith.constant 96 : index
        %swap3A_243 = tpu.vector_load %arg13[%swap3A_241, %swap3A_242] {strides = array<i32>} : memref<80x128xf32, #tpu.memory_space<vmem>>, vector<1x16xf32>,
        %swap3A_244 = vector.shape_cast %swap3A_243 : vector<1x16xf32> to vector<16xf32>
        %swap3A_245 = vector.shape_cast %max3A_240 : vector<16xf32> to vector<1x16xf32>
        tpu.vector_store %arg13[%swap3A_241, %swap3A_242], %swap3A_245 {strides = array<i32>} : memref<80x128xf32, #tpu.memory_space<vmem>>, vector<1x16xf32>,
        %get3A_246 = arith.index_cast %add3A_127 : i32 to index
        %get3A_247 = arith.constant 112 : index
        %get3A_248 = tpu.vector_load %arg13[%get3A_246, %get3A_247] {strides = array<i32>} : memref<80x128xf32, #tpu.memory_space<vmem>>, vector<1x16xf32>,
        %get3A_249 = vector.shape_cast %get3A_248 : vector<1x16xf32> to vector<16xf32>
        %get3A_250 = arith.index_cast %add3A_127 : i32 to index
        %get3A_251 = arith.constant 112 : index
        %get3A_252 = tpu.vector_load %arg14[%get3A_250, %get3A_251] {strides = array<i32>} : memref<80x128xf32, #tpu.memory_space<vmem>>, vector<1x16xf32>,
        %get3A_253 = vector.shape_cast %get3A_252 : vector<1x16xf32> to vector<16xf32>
        %add3A_254 = arith.addf %get3A_249, %get3A_253 : vector<16xf32>
        %max3A_255 = arith.constant 0.000000e+00 : f32
        %max3A_256 = vector.broadcast %max3A_255 : f32 to vector<16xf32>
        %max3A_257 = arith.maximumf %add3A_254, %max3A_256 : vector<16xf32>
        %swap3A_258 = arith.index_cast %add3A_127 : i32 to index
        %swap3A_259 = arith.constant 112 : index
        %swap3A_260 = tpu.vector_load %arg13[%swap3A_258, %swap3A_259] {strides = array<i32>} : memref<80x128xf32, #tpu.memory_space<vmem>>, vector<1x16xf32>,
        %swap3A_261 = vector.shape_cast %swap3A_260 : vector<1x16xf32> to vector<16xf32>
        %swap3A_262 = vector.shape_cast %max3A_257 : vector<16xf32> to vector<1x16xf32>
        tpu.vector_store %arg13[%swap3A_258, %swap3A_259], %swap3A_262 {strides = array<i32>} : memref<80x128xf32, #tpu.memory_space<vmem>>, vector<1x16xf32>,
      }
      %scan3A_122 = arith.constant 80 : i32
      "tpu.region"() ({
        %run_scoped3A = tpu.sem_alloc : memref<!tpu.dma_semaphore, #tpu.memory_space<semaphore_mem>>
        %dma_start3A_123 = arith.constant 0 : i32
        %dma_start3A_124 = arith.constant 0 : i32
        %dma_start3A_125 = tpu.memref_slice %arg8[%dma_start3A_123, %dma_start3A_124] : memref<10240x128xf32, #tpu.memory_space<vmem_shared>> -> memref<10240x128xf32, #tpu.memory_space<vmem_shared>>
        tpu.enqueue_indirect_dma source(%arg13 : memref<80x128xf32, #tpu.memory_space<vmem>>) target(%dma_start3A_125 : memref<10240x128xf32, #tpu.memory_space<vmem_shared>>) offsets(%arg10 : memref<80xi32, #tpu.memory_space<vmem>>) semaphore(%run_scoped3A : memref<!tpu.dma_semaphore, #tpu.memory_space<semaphore_mem>>) {add = true}
        %dma_wait3A_126 = arith.constant 0 : i32
        %dma_wait3A_127 = arith.constant 0 : i32
        %dma_wait3A_128 = tpu.memref_slice %arg8[%dma_wait3A_126, %dma_wait3A_127] : memref<10240x128xf32, #tpu.memory_space<vmem_shared>> -> memref<10240x128xf32, #tpu.memory_space<vmem_shared>>
        tpu.wait_indirect_dma semaphore(%run_scoped3A : memref<!tpu.dma_semaphore, #tpu.memory_space<semaphore_mem>>) src(%arg13 : memref<80x128xf32, #tpu.memory_space<vmem>>) dst(%dma_wait3A_128 : memref<10240x128xf32, #tpu.memory_space<vmem_shared>>)
        tpu.yield
      }) : () -> ()
    }
    %scan3A_8 = arith.constant 250 : i32
    %barrier3A_9 = arith.constant 0 : index
    tpu.barrier barrier_id(%barrier3A_9)
    %add3A = arith.addi %mul3A_4, %mul3A_0 : i32
    "tpu.region"() ({
      %run_scoped3A = tpu.sem_alloc : memref<!tpu.dma_semaphore, #tpu.memory_space<semaphore_mem>>
      %dma_start3A = arith.constant 0 : i32
      %dma_start3A_10 = tpu.memref_slice %arg7[%add3A, %dma_start3A] : memref<20480x128xf32, #tpu.memory_space<hbm>> -> memref<640x128xf32, #tpu.memory_space<hbm>>
      %dma_start3A_11 = arith.constant 0 : i32
      %dma_start3A_12 = tpu.memref_slice %arg8[%mul3A_0, %dma_start3A_11] : memref<10240x128xf32, #tpu.memory_space<vmem_shared>> -> memref<640x128xf32, #tpu.memory_space<vmem_shared>>
      tpu.enqueue_dma source(%dma_start3A_12 : memref<640x128xf32, #tpu.memory_space<vmem_shared>>) target(%dma_start3A_10 : memref<640x128xf32, #tpu.memory_space<hbm>>) target_semaphore(%run_scoped3A : memref<!tpu.dma_semaphore, #tpu.memory_space<semaphore_mem>>)
      %dma_wait3A = arith.constant 0 : i32
      %dma_wait3A_13 = tpu.memref_slice %arg7[%add3A, %dma_wait3A] : memref<20480x128xf32, #tpu.memory_space<hbm>> -> memref<640x128xf32, #tpu.memory_space<hbm>>
      %dma_wait3A_14 = arith.constant 0 : i32
      %dma_wait3A_15 = tpu.memref_slice %arg8[%mul3A_0, %dma_wait3A_14] : memref<10240x128xf32, #tpu.memory_space<vmem_shared>> -> memref<640x128xf32, #tpu.memory_space<vmem_shared>>
      tpu.wait_dma2 semaphore(%run_scoped3A : memref<!tpu.dma_semaphore, #tpu.memory_space<semaphore_mem>>) src(%dma_wait3A_15 : memref<640x128xf32, #tpu.memory_space<vmem_shared>>) dst(%dma_wait3A_13 : memref<640x128xf32, #tpu.memory_space<hbm>>)
      tpu.yield
    }) : () -> ()
    return
  }
}

#map = affine_map<(d0, d1) -> (0, 0)>
#map1 = affine_map<(d0, d1) -> (0)>
module attributes {stable_mosaic.version = 14 : i64} {
  func.func @sc_layer(%arg0: i32, %arg1: i32, %arg2: memref<20000x128xf32, #tpu.memory_space<hbm>>, %arg3: memref<20000x128xf32, #tpu.memory_space<hbm>>, %arg4: memref<320000xi32, #tpu.memory_space<hbm>>, %arg5: memref<320000xi32, #tpu.memory_space<hbm>>, %arg6: memref<640x128xf32, #tpu.memory_space<hbm>>, %arg7: memref<20480x128xf32, #tpu.memory_space<hbm>>, %arg8: memref<10240x128xf32, #tpu.memory_space<vmem_shared>>, %arg9: memref<80xi32, #tpu.memory_space<vmem>>, %arg10: memref<80xi32, #tpu.memory_space<vmem>>, %arg11: memref<80xi32, #tpu.memory_space<vmem>>, %arg12: memref<80xi32, #tpu.memory_space<vmem>>, %arg13: memref<80x128xf32, #tpu.memory_space<vmem>>, %arg14: memref<80x128xf32, #tpu.memory_space<vmem>>, %arg15: memref<!tpu.dma_semaphore, #tpu.memory_space<semaphore_mem>>, %arg16: memref<!tpu.dma_semaphore, #tpu.memory_space<semaphore_mem>>) attributes {dimension_semantics = [#tpu.dimension_semantics<core_parallel>, #tpu.dimension_semantics<subcore_parallel>], iteration_bounds = array<i64: 2, 16>, scalar_prefetch = 0 : i64, scratch_operands = 9 : i64, tpu.core_type = #tpu.core_type<sc_vector_subcore>, window_params = [{transform_indices = #map}, {transform_indices = #map}, {transform_indices = #map1}, {transform_indices = #map1}, {transform_indices = #map}, {transform_indices = #map}]} {
    %mul3A = arith.constant 640 : i32
    %mul3A_0 = arith.muli %arg1, %mul3A : i32
    %mul3A_1 = arith.constant 10000 : i32
    %mul3A_2 = arith.muli %arg0, %mul3A_1 : i32
    %mul3A_3 = arith.constant 10240 : i32
    %mul3A_4 = arith.muli %arg0, %mul3A_3 : i32
    "tpu.region"() ({
      %run_scoped3A = tpu.sem_alloc : memref<!tpu.dma_semaphore, #tpu.memory_space<semaphore_mem>>
      %dma_start3A = arith.constant 0 : i32
      %dma_start3A_10 = tpu.memref_slice %arg8[%mul3A_0, %dma_start3A] : memref<10240x128xf32, #tpu.memory_space<vmem_shared>> -> memref<640x128xf32, #tpu.memory_space<vmem_shared>>
      tpu.enqueue_dma source(%arg6 : memref<640x128xf32, #tpu.memory_space<hbm>>) target(%dma_start3A_10 : memref<640x128xf32, #tpu.memory_space<vmem_shared>>) target_semaphore(%run_scoped3A : memref<!tpu.dma_semaphore, #tpu.memory_space<semaphore_mem>>)
      %dma_wait3A = arith.constant 0 : i32
      %dma_wait3A_11 = tpu.memref_slice %arg8[%mul3A_0, %dma_wait3A] : memref<10240x128xf32, #tpu.memory_space<vmem_shared>> -> memref<640x128xf32, #tpu.memory_space<vmem_shared>>
      tpu.wait_dma2 semaphore(%run_scoped3A : memref<!tpu.dma_semaphore, #tpu.memory_space<semaphore_mem>>) src(%arg6 : memref<640x128xf32, #tpu.memory_space<hbm>>) dst(%dma_wait3A_11 : memref<640x128xf32, #tpu.memory_space<vmem_shared>>)
      tpu.yield
    }) : () -> ()
    %barrier3A = arith.constant 0 : index
    tpu.barrier barrier_id(%barrier3A)
    %scan3A = arith.constant 0 : i32
    %scan3A_5 = arith.constant 250 : i32
    %scan3A_6 = arith.addi %scan3A, %scan3A_5 : i32
    %scan3A_7 = arith.constant 1 : i32
    scf.for %scan3A_10 = %scan3A to %scan3A_6 step %scan3A_7  : i32 {
      %mul3A_11 = arith.constant 1 : i32
      %mul3A_12 = arith.muli %scan3A_10, %mul3A_11 : i32
      %add3A_13 = arith.constant 0 : i32
      %add3A_14 = arith.addi %add3A_13, %mul3A_12 : i32
      %mul3A_15 = arith.constant 20000 : i32
      %mul3A_16 = arith.muli %arg1, %mul3A_15 : i32
      %mul3A_17 = arith.constant 80 : i32
      %mul3A_18 = arith.muli %add3A_14, %mul3A_17 : i32
      %add3A_19 = arith.addi %mul3A_16, %mul3A_18 : i32
      "tpu.region"() ({
        %run_scoped3A = tpu.sem_alloc : memref<!tpu.dma_semaphore, #tpu.memory_space<semaphore_mem>>
        %dma_start3A_123 = tpu.memref_slice %arg4[%add3A_19] : memref<320000xi32, #tpu.memory_space<hbm>> -> memref<80xi32, #tpu.memory_space<hbm>>
        %dma_start3A_124 = tpu.memref_slice %arg4[%add3A_19] : memref<320000xi32, #tpu.memory_space<hbm>> -> memref<80xi32, #tpu.memory_space<hbm>>
        tpu.enqueue_dma source(%dma_start3A_124 : memref<80xi32, #tpu.memory_space<hbm>>) target(%arg9 : memref<80xi32, #tpu.memory_space<vmem>>) target_semaphore(%run_scoped3A : memref<!tpu.dma_semaphore, #tpu.memory_space<semaphore_mem>>)
        %dma_wait3A_125 = tpu.memref_slice %arg4[%add3A_19] : memref<320000xi32, #tpu.memory_space<hbm>> -> memref<80xi32, #tpu.memory_space<hbm>>
        %dma_wait3A_126 = tpu.memref_slice %arg4[%add3A_19] : memref<320000xi32, #tpu.memory_space<hbm>> -> memref<80xi32, #tpu.memory_space<hbm>>
        tpu.wait_dma2 semaphore(%run_scoped3A : memref<!tpu.dma_semaphore, #tpu.memory_space<semaphore_mem>>) src(%dma_wait3A_126 : memref<80xi32, #tpu.memory_space<hbm>>) dst(%arg9 : memref<80xi32, #tpu.memory_space<vmem>>)
        tpu.yield
      }) : () -> ()
      "tpu.region"() ({
        %run_scoped3A = tpu.sem_alloc : memref<!tpu.dma_semaphore, #tpu.memory_space<semaphore_mem>>
        %dma_start3A_123 = tpu.memref_slice %arg5[%add3A_19] : memref<320000xi32, #tpu.memory_space<hbm>> -> memref<80xi32, #tpu.memory_space<hbm>>
        %dma_start3A_124 = tpu.memref_slice %arg5[%add3A_19] : memref<320000xi32, #tpu.memory_space<hbm>> -> memref<80xi32, #tpu.memory_space<hbm>>
        tpu.enqueue_dma source(%dma_start3A_124 : memref<80xi32, #tpu.memory_space<hbm>>) target(%arg10 : memref<80xi32, #tpu.memory_space<vmem>>) target_semaphore(%run_scoped3A : memref<!tpu.dma_semaphore, #tpu.memory_space<semaphore_mem>>)
        %dma_wait3A_125 = tpu.memref_slice %arg5[%add3A_19] : memref<320000xi32, #tpu.memory_space<hbm>> -> memref<80xi32, #tpu.memory_space<hbm>>
        %dma_wait3A_126 = tpu.memref_slice %arg5[%add3A_19] : memref<320000xi32, #tpu.memory_space<hbm>> -> memref<80xi32, #tpu.memory_space<hbm>>
        tpu.wait_dma2 semaphore(%run_scoped3A : memref<!tpu.dma_semaphore, #tpu.memory_space<semaphore_mem>>) src(%dma_wait3A_126 : memref<80xi32, #tpu.memory_space<hbm>>) dst(%arg10 : memref<80xi32, #tpu.memory_space<vmem>>)
        tpu.yield
      }) : () -> ()
      %get3A = arith.constant 0 : index
      %get3A_20 = tpu.vector_load %arg9[%get3A] {strides = array<i32>} : memref<80xi32, #tpu.memory_space<vmem>>, vector<16xi32>,
      %get3A_21 = vector.shape_cast %get3A_20 : vector<16xi32> to vector<16xi32>
      %add3A_22 = vector.broadcast %mul3A_2 : i32 to vector<16xi32>
      %add3A_23 = arith.addi %get3A_21, %add3A_22 : vector<16xi32>
      %swap3A = arith.constant 0 : index
      %swap3A_24 = tpu.vector_load %arg11[%swap3A] {strides = array<i32>} : memref<80xi32, #tpu.memory_space<vmem>>, vector<16xi32>,
      %swap3A_25 = vector.shape_cast %swap3A_24 : vector<16xi32> to vector<16xi32>
      %swap3A_26 = vector.shape_cast %add3A_23 : vector<16xi32> to vector<16xi32>
      tpu.vector_store %arg11[%swap3A], %swap3A_26 {strides = array<i32>} : memref<80xi32, #tpu.memory_space<vmem>>, vector<16xi32>,
      %get3A_27 = arith.constant 0 : index
      %get3A_28 = tpu.vector_load %arg10[%get3A_27] {strides = array<i32>} : memref<80xi32, #tpu.memory_space<vmem>>, vector<16xi32>,
      %get3A_29 = vector.shape_cast %get3A_28 : vector<16xi32> to vector<16xi32>
      %add3A_30 = vector.broadcast %mul3A_2 : i32 to vector<16xi32>
      %add3A_31 = arith.addi %get3A_29, %add3A_30 : vector<16xi32>
      %swap3A_32 = arith.constant 0 : index
      %swap3A_33 = tpu.vector_load %arg12[%swap3A_32] {strides = array<i32>} : memref<80xi32, #tpu.memory_space<vmem>>, vector<16xi32>,
      %swap3A_34 = vector.shape_cast %swap3A_33 : vector<16xi32> to vector<16xi32>
      %swap3A_35 = vector.shape_cast %add3A_31 : vector<16xi32> to vector<16xi32>
      tpu.vector_store %arg12[%swap3A_32], %swap3A_35 {strides = array<i32>} : memref<80xi32, #tpu.memory_space<vmem>>, vector<16xi32>,
      %get3A_36 = arith.constant 16 : index
      %get3A_37 = tpu.vector_load %arg9[%get3A_36] {strides = array<i32>} : memref<80xi32, #tpu.memory_space<vmem>>, vector<16xi32>,
      %get3A_38 = vector.shape_cast %get3A_37 : vector<16xi32> to vector<16xi32>
      %add3A_39 = vector.broadcast %mul3A_2 : i32 to vector<16xi32>
      %add3A_40 = arith.addi %get3A_38, %add3A_39 : vector<16xi32>
      %swap3A_41 = arith.constant 16 : index
      %swap3A_42 = tpu.vector_load %arg11[%swap3A_41] {strides = array<i32>} : memref<80xi32, #tpu.memory_space<vmem>>, vector<16xi32>,
      %swap3A_43 = vector.shape_cast %swap3A_42 : vector<16xi32> to vector<16xi32>
      %swap3A_44 = vector.shape_cast %add3A_40 : vector<16xi32> to vector<16xi32>
      tpu.vector_store %arg11[%swap3A_41], %swap3A_44 {strides = array<i32>} : memref<80xi32, #tpu.memory_space<vmem>>, vector<16xi32>,
      %get3A_45 = arith.constant 16 : index
      %get3A_46 = tpu.vector_load %arg10[%get3A_45] {strides = array<i32>} : memref<80xi32, #tpu.memory_space<vmem>>, vector<16xi32>,
      %get3A_47 = vector.shape_cast %get3A_46 : vector<16xi32> to vector<16xi32>
      %add3A_48 = vector.broadcast %mul3A_2 : i32 to vector<16xi32>
      %add3A_49 = arith.addi %get3A_47, %add3A_48 : vector<16xi32>
      %swap3A_50 = arith.constant 16 : index
      %swap3A_51 = tpu.vector_load %arg12[%swap3A_50] {strides = array<i32>} : memref<80xi32, #tpu.memory_space<vmem>>, vector<16xi32>,
      %swap3A_52 = vector.shape_cast %swap3A_51 : vector<16xi32> to vector<16xi32>
      %swap3A_53 = vector.shape_cast %add3A_49 : vector<16xi32> to vector<16xi32>
      tpu.vector_store %arg12[%swap3A_50], %swap3A_53 {strides = array<i32>} : memref<80xi32, #tpu.memory_space<vmem>>, vector<16xi32>,
      %get3A_54 = arith.constant 32 : index
      %get3A_55 = tpu.vector_load %arg9[%get3A_54] {strides = array<i32>} : memref<80xi32, #tpu.memory_space<vmem>>, vector<16xi32>,
      %get3A_56 = vector.shape_cast %get3A_55 : vector<16xi32> to vector<16xi32>
      %add3A_57 = vector.broadcast %mul3A_2 : i32 to vector<16xi32>
      %add3A_58 = arith.addi %get3A_56, %add3A_57 : vector<16xi32>
      %swap3A_59 = arith.constant 32 : index
      %swap3A_60 = tpu.vector_load %arg11[%swap3A_59] {strides = array<i32>} : memref<80xi32, #tpu.memory_space<vmem>>, vector<16xi32>,
      %swap3A_61 = vector.shape_cast %swap3A_60 : vector<16xi32> to vector<16xi32>
      %swap3A_62 = vector.shape_cast %add3A_58 : vector<16xi32> to vector<16xi32>
      tpu.vector_store %arg11[%swap3A_59], %swap3A_62 {strides = array<i32>} : memref<80xi32, #tpu.memory_space<vmem>>, vector<16xi32>,
      %get3A_63 = arith.constant 32 : index
      %get3A_64 = tpu.vector_load %arg10[%get3A_63] {strides = array<i32>} : memref<80xi32, #tpu.memory_space<vmem>>, vector<16xi32>,
      %get3A_65 = vector.shape_cast %get3A_64 : vector<16xi32> to vector<16xi32>
      %add3A_66 = vector.broadcast %mul3A_2 : i32 to vector<16xi32>
      %add3A_67 = arith.addi %get3A_65, %add3A_66 : vector<16xi32>
      %swap3A_68 = arith.constant 32 : index
      %swap3A_69 = tpu.vector_load %arg12[%swap3A_68] {strides = array<i32>} : memref<80xi32, #tpu.memory_space<vmem>>, vector<16xi32>,
      %swap3A_70 = vector.shape_cast %swap3A_69 : vector<16xi32> to vector<16xi32>
      %swap3A_71 = vector.shape_cast %add3A_67 : vector<16xi32> to vector<16xi32>
      tpu.vector_store %arg12[%swap3A_68], %swap3A_71 {strides = array<i32>} : memref<80xi32, #tpu.memory_space<vmem>>, vector<16xi32>,
      %get3A_72 = arith.constant 48 : index
      %get3A_73 = tpu.vector_load %arg9[%get3A_72] {strides = array<i32>} : memref<80xi32, #tpu.memory_space<vmem>>, vector<16xi32>,
      %get3A_74 = vector.shape_cast %get3A_73 : vector<16xi32> to vector<16xi32>
      %add3A_75 = vector.broadcast %mul3A_2 : i32 to vector<16xi32>
      %add3A_76 = arith.addi %get3A_74, %add3A_75 : vector<16xi32>
      %swap3A_77 = arith.constant 48 : index
      %swap3A_78 = tpu.vector_load %arg11[%swap3A_77] {strides = array<i32>} : memref<80xi32, #tpu.memory_space<vmem>>, vector<16xi32>,
      %swap3A_79 = vector.shape_cast %swap3A_78 : vector<16xi32> to vector<16xi32>
      %swap3A_80 = vector.shape_cast %add3A_76 : vector<16xi32> to vector<16xi32>
      tpu.vector_store %arg11[%swap3A_77], %swap3A_80 {strides = array<i32>} : memref<80xi32, #tpu.memory_space<vmem>>, vector<16xi32>,
      %get3A_81 = arith.constant 48 : index
      %get3A_82 = tpu.vector_load %arg10[%get3A_81] {strides = array<i32>} : memref<80xi32, #tpu.memory_space<vmem>>, vector<16xi32>,
      %get3A_83 = vector.shape_cast %get3A_82 : vector<16xi32> to vector<16xi32>
      %add3A_84 = vector.broadcast %mul3A_2 : i32 to vector<16xi32>
      %add3A_85 = arith.addi %get3A_83, %add3A_84 : vector<16xi32>
      %swap3A_86 = arith.constant 48 : index
      %swap3A_87 = tpu.vector_load %arg12[%swap3A_86] {strides = array<i32>} : memref<80xi32, #tpu.memory_space<vmem>>, vector<16xi32>,
      %swap3A_88 = vector.shape_cast %swap3A_87 : vector<16xi32> to vector<16xi32>
      %swap3A_89 = vector.shape_cast %add3A_85 : vector<16xi32> to vector<16xi32>
      tpu.vector_store %arg12[%swap3A_86], %swap3A_89 {strides = array<i32>} : memref<80xi32, #tpu.memory_space<vmem>>, vector<16xi32>,
      %get3A_90 = arith.constant 64 : index
      %get3A_91 = tpu.vector_load %arg9[%get3A_90] {strides = array<i32>} : memref<80xi32, #tpu.memory_space<vmem>>, vector<16xi32>,
      %get3A_92 = vector.shape_cast %get3A_91 : vector<16xi32> to vector<16xi32>
      %add3A_93 = vector.broadcast %mul3A_2 : i32 to vector<16xi32>
      %add3A_94 = arith.addi %get3A_92, %add3A_93 : vector<16xi32>
      %swap3A_95 = arith.constant 64 : index
      %swap3A_96 = tpu.vector_load %arg11[%swap3A_95] {strides = array<i32>} : memref<80xi32, #tpu.memory_space<vmem>>, vector<16xi32>,
      %swap3A_97 = vector.shape_cast %swap3A_96 : vector<16xi32> to vector<16xi32>
      %swap3A_98 = vector.shape_cast %add3A_94 : vector<16xi32> to vector<16xi32>
      tpu.vector_store %arg11[%swap3A_95], %swap3A_98 {strides = array<i32>} : memref<80xi32, #tpu.memory_space<vmem>>, vector<16xi32>,
      %get3A_99 = arith.constant 64 : index
      %get3A_100 = tpu.vector_load %arg10[%get3A_99] {strides = array<i32>} : memref<80xi32, #tpu.memory_space<vmem>>, vector<16xi32>,
      %get3A_101 = vector.shape_cast %get3A_100 : vector<16xi32> to vector<16xi32>
      %add3A_102 = vector.broadcast %mul3A_2 : i32 to vector<16xi32>
      %add3A_103 = arith.addi %get3A_101, %add3A_102 : vector<16xi32>
      %swap3A_104 = arith.constant 64 : index
      %swap3A_105 = tpu.vector_load %arg12[%swap3A_104] {strides = array<i32>} : memref<80xi32, #tpu.memory_space<vmem>>, vector<16xi32>,
      %swap3A_106 = vector.shape_cast %swap3A_105 : vector<16xi32> to vector<16xi32>
      %swap3A_107 = vector.shape_cast %add3A_103 : vector<16xi32> to vector<16xi32>
      tpu.vector_store %arg12[%swap3A_104], %swap3A_107 {strides = array<i32>} : memref<80xi32, #tpu.memory_space<vmem>>, vector<16xi32>,
      %dma_start3A = arith.constant 0 : i32
      %dma_start3A_108 = arith.constant 0 : i32
      %dma_start3A_109 = tpu.memref_slice %arg2[%dma_start3A, %dma_start3A_108] : memref<20000x128xf32, #tpu.memory_space<hbm>> -> memref<20000x128xf32, #tpu.memory_space<hbm>>
      tpu.enqueue_indirect_dma source(%dma_start3A_109 : memref<20000x128xf32, #tpu.memory_space<hbm>>) target(%arg13 : memref<80x128xf32, #tpu.memory_space<vmem>>) offsets(%arg11 : memref<80xi32, #tpu.memory_space<vmem>>) semaphore(%arg15 : memref<!tpu.dma_semaphore, #tpu.memory_space<semaphore_mem>>)
      %dma_start3A_110 = arith.constant 0 : i32
      %dma_start3A_111 = arith.constant 0 : i32
      %dma_start3A_112 = tpu.memref_slice %arg3[%dma_start3A_110, %dma_start3A_111] : memref<20000x128xf32, #tpu.memory_space<hbm>> -> memref<20000x128xf32, #tpu.memory_space<hbm>>
      tpu.enqueue_indirect_dma source(%dma_start3A_112 : memref<20000x128xf32, #tpu.memory_space<hbm>>) target(%arg14 : memref<80x128xf32, #tpu.memory_space<vmem>>) offsets(%arg12 : memref<80xi32, #tpu.memory_space<vmem>>) semaphore(%arg16 : memref<!tpu.dma_semaphore, #tpu.memory_space<semaphore_mem>>)
      %dma_wait3A = arith.constant 0 : i32
      %dma_wait3A_113 = arith.constant 0 : i32
      %dma_wait3A_114 = tpu.memref_slice %arg2[%dma_wait3A, %dma_wait3A_113] : memref<20000x128xf32, #tpu.memory_space<hbm>> -> memref<20000x128xf32, #tpu.memory_space<hbm>>
      tpu.wait_indirect_dma semaphore(%arg15 : memref<!tpu.dma_semaphore, #tpu.memory_space<semaphore_mem>>) src(%dma_wait3A_114 : memref<20000x128xf32, #tpu.memory_space<hbm>>) dst(%arg13 : memref<80x128xf32, #tpu.memory_space<vmem>>)
      %dma_wait3A_115 = arith.constant 0 : i32
      %dma_wait3A_116 = arith.constant 0 : i32
      %dma_wait3A_117 = tpu.memref_slice %arg3[%dma_wait3A_115, %dma_wait3A_116] : memref<20000x128xf32, #tpu.memory_space<hbm>> -> memref<20000x128xf32, #tpu.memory_space<hbm>>
      tpu.wait_indirect_dma semaphore(%arg16 : memref<!tpu.dma_semaphore, #tpu.memory_space<semaphore_mem>>) src(%dma_wait3A_117 : memref<20000x128xf32, #tpu.memory_space<hbm>>) dst(%arg14 : memref<80x128xf32, #tpu.memory_space<vmem>>)
      %scan3A_118 = arith.constant 0 : i32
      %scan3A_119 = arith.constant 80 : i32
      %scan3A_120 = arith.addi %scan3A_118, %scan3A_119 : i32
      %scan3A_121 = arith.constant 1 : i32
      scf.for %scan3A_123 = %scan3A_118 to %scan3A_120 step %scan3A_121  : i32 {
        %mul3A_124 = arith.constant 1 : i32
        %mul3A_125 = arith.muli %scan3A_123, %mul3A_124 : i32
        %add3A_126 = arith.constant 0 : i32
        %add3A_127 = arith.addi %add3A_126, %mul3A_125 : i32
        %get3A_128 = arith.index_cast %add3A_127 : i32 to index
        %get3A_129 = arith.constant 0 : index
        %get3A_130 = tpu.vector_load %arg13[%get3A_128, %get3A_129] {strides = array<i32>} : memref<80x128xf32, #tpu.memory_space<vmem>>, vector<1x16xf32>,
        %get3A_131 = vector.shape_cast %get3A_130 : vector<1x16xf32> to vector<16xf32>
        %get3A_132 = arith.index_cast %add3A_127 : i32 to index
        %get3A_133 = arith.constant 0 : index
        %get3A_134 = tpu.vector_load %arg14[%get3A_132, %get3A_133] {strides = array<i32>} : memref<80x128xf32, #tpu.memory_space<vmem>>, vector<1x16xf32>,
        %get3A_135 = vector.shape_cast %get3A_134 : vector<1x16xf32> to vector<16xf32>
        %add3A_136 = arith.addf %get3A_131, %get3A_135 : vector<16xf32>
        %max3A = arith.constant 0.000000e+00 : f32
        %max3A_137 = vector.broadcast %max3A : f32 to vector<16xf32>
        %max3A_138 = arith.maximumf %add3A_136, %max3A_137 : vector<16xf32>
        %swap3A_139 = arith.index_cast %add3A_127 : i32 to index
        %swap3A_140 = arith.constant 0 : index
        %swap3A_141 = tpu.vector_load %arg13[%swap3A_139, %swap3A_140] {strides = array<i32>} : memref<80x128xf32, #tpu.memory_space<vmem>>, vector<1x16xf32>,
        %swap3A_142 = vector.shape_cast %swap3A_141 : vector<1x16xf32> to vector<16xf32>
        %swap3A_143 = vector.shape_cast %max3A_138 : vector<16xf32> to vector<1x16xf32>
        tpu.vector_store %arg13[%swap3A_139, %swap3A_140], %swap3A_143 {strides = array<i32>} : memref<80x128xf32, #tpu.memory_space<vmem>>, vector<1x16xf32>,
        %get3A_144 = arith.index_cast %add3A_127 : i32 to index
        %get3A_145 = arith.constant 16 : index
        %get3A_146 = tpu.vector_load %arg13[%get3A_144, %get3A_145] {strides = array<i32>} : memref<80x128xf32, #tpu.memory_space<vmem>>, vector<1x16xf32>,
        %get3A_147 = vector.shape_cast %get3A_146 : vector<1x16xf32> to vector<16xf32>
        %get3A_148 = arith.index_cast %add3A_127 : i32 to index
        %get3A_149 = arith.constant 16 : index
        %get3A_150 = tpu.vector_load %arg14[%get3A_148, %get3A_149] {strides = array<i32>} : memref<80x128xf32, #tpu.memory_space<vmem>>, vector<1x16xf32>,
        %get3A_151 = vector.shape_cast %get3A_150 : vector<1x16xf32> to vector<16xf32>
        %add3A_152 = arith.addf %get3A_147, %get3A_151 : vector<16xf32>
        %max3A_153 = arith.constant 0.000000e+00 : f32
        %max3A_154 = vector.broadcast %max3A_153 : f32 to vector<16xf32>
        %max3A_155 = arith.maximumf %add3A_152, %max3A_154 : vector<16xf32>
        %swap3A_156 = arith.index_cast %add3A_127 : i32 to index
        %swap3A_157 = arith.constant 16 : index
        %swap3A_158 = tpu.vector_load %arg13[%swap3A_156, %swap3A_157] {strides = array<i32>} : memref<80x128xf32, #tpu.memory_space<vmem>>, vector<1x16xf32>,
        %swap3A_159 = vector.shape_cast %swap3A_158 : vector<1x16xf32> to vector<16xf32>
        %swap3A_160 = vector.shape_cast %max3A_155 : vector<16xf32> to vector<1x16xf32>
        tpu.vector_store %arg13[%swap3A_156, %swap3A_157], %swap3A_160 {strides = array<i32>} : memref<80x128xf32, #tpu.memory_space<vmem>>, vector<1x16xf32>,
        %get3A_161 = arith.index_cast %add3A_127 : i32 to index
        %get3A_162 = arith.constant 32 : index
        %get3A_163 = tpu.vector_load %arg13[%get3A_161, %get3A_162] {strides = array<i32>} : memref<80x128xf32, #tpu.memory_space<vmem>>, vector<1x16xf32>,
        %get3A_164 = vector.shape_cast %get3A_163 : vector<1x16xf32> to vector<16xf32>
        %get3A_165 = arith.index_cast %add3A_127 : i32 to index
        %get3A_166 = arith.constant 32 : index
        %get3A_167 = tpu.vector_load %arg14[%get3A_165, %get3A_166] {strides = array<i32>} : memref<80x128xf32, #tpu.memory_space<vmem>>, vector<1x16xf32>,
        %get3A_168 = vector.shape_cast %get3A_167 : vector<1x16xf32> to vector<16xf32>
        %add3A_169 = arith.addf %get3A_164, %get3A_168 : vector<16xf32>
        %max3A_170 = arith.constant 0.000000e+00 : f32
        %max3A_171 = vector.broadcast %max3A_170 : f32 to vector<16xf32>
        %max3A_172 = arith.maximumf %add3A_169, %max3A_171 : vector<16xf32>
        %swap3A_173 = arith.index_cast %add3A_127 : i32 to index
        %swap3A_174 = arith.constant 32 : index
        %swap3A_175 = tpu.vector_load %arg13[%swap3A_173, %swap3A_174] {strides = array<i32>} : memref<80x128xf32, #tpu.memory_space<vmem>>, vector<1x16xf32>,
        %swap3A_176 = vector.shape_cast %swap3A_175 : vector<1x16xf32> to vector<16xf32>
        %swap3A_177 = vector.shape_cast %max3A_172 : vector<16xf32> to vector<1x16xf32>
        tpu.vector_store %arg13[%swap3A_173, %swap3A_174], %swap3A_177 {strides = array<i32>} : memref<80x128xf32, #tpu.memory_space<vmem>>, vector<1x16xf32>,
        %get3A_178 = arith.index_cast %add3A_127 : i32 to index
        %get3A_179 = arith.constant 48 : index
        %get3A_180 = tpu.vector_load %arg13[%get3A_178, %get3A_179] {strides = array<i32>} : memref<80x128xf32, #tpu.memory_space<vmem>>, vector<1x16xf32>,
        %get3A_181 = vector.shape_cast %get3A_180 : vector<1x16xf32> to vector<16xf32>
        %get3A_182 = arith.index_cast %add3A_127 : i32 to index
        %get3A_183 = arith.constant 48 : index
        %get3A_184 = tpu.vector_load %arg14[%get3A_182, %get3A_183] {strides = array<i32>} : memref<80x128xf32, #tpu.memory_space<vmem>>, vector<1x16xf32>,
        %get3A_185 = vector.shape_cast %get3A_184 : vector<1x16xf32> to vector<16xf32>
        %add3A_186 = arith.addf %get3A_181, %get3A_185 : vector<16xf32>
        %max3A_187 = arith.constant 0.000000e+00 : f32
        %max3A_188 = vector.broadcast %max3A_187 : f32 to vector<16xf32>
        %max3A_189 = arith.maximumf %add3A_186, %max3A_188 : vector<16xf32>
        %swap3A_190 = arith.index_cast %add3A_127 : i32 to index
        %swap3A_191 = arith.constant 48 : index
        %swap3A_192 = tpu.vector_load %arg13[%swap3A_190, %swap3A_191] {strides = array<i32>} : memref<80x128xf32, #tpu.memory_space<vmem>>, vector<1x16xf32>,
        %swap3A_193 = vector.shape_cast %swap3A_192 : vector<1x16xf32> to vector<16xf32>
        %swap3A_194 = vector.shape_cast %max3A_189 : vector<16xf32> to vector<1x16xf32>
        tpu.vector_store %arg13[%swap3A_190, %swap3A_191], %swap3A_194 {strides = array<i32>} : memref<80x128xf32, #tpu.memory_space<vmem>>, vector<1x16xf32>,
        %get3A_195 = arith.index_cast %add3A_127 : i32 to index
        %get3A_196 = arith.constant 64 : index
        %get3A_197 = tpu.vector_load %arg13[%get3A_195, %get3A_196] {strides = array<i32>} : memref<80x128xf32, #tpu.memory_space<vmem>>, vector<1x16xf32>,
        %get3A_198 = vector.shape_cast %get3A_197 : vector<1x16xf32> to vector<16xf32>
        %get3A_199 = arith.index_cast %add3A_127 : i32 to index
        %get3A_200 = arith.constant 64 : index
        %get3A_201 = tpu.vector_load %arg14[%get3A_199, %get3A_200] {strides = array<i32>} : memref<80x128xf32, #tpu.memory_space<vmem>>, vector<1x16xf32>,
        %get3A_202 = vector.shape_cast %get3A_201 : vector<1x16xf32> to vector<16xf32>
        %add3A_203 = arith.addf %get3A_198, %get3A_202 : vector<16xf32>
        %max3A_204 = arith.constant 0.000000e+00 : f32
        %max3A_205 = vector.broadcast %max3A_204 : f32 to vector<16xf32>
        %max3A_206 = arith.maximumf %add3A_203, %max3A_205 : vector<16xf32>
        %swap3A_207 = arith.index_cast %add3A_127 : i32 to index
        %swap3A_208 = arith.constant 64 : index
        %swap3A_209 = tpu.vector_load %arg13[%swap3A_207, %swap3A_208] {strides = array<i32>} : memref<80x128xf32, #tpu.memory_space<vmem>>, vector<1x16xf32>,
        %swap3A_210 = vector.shape_cast %swap3A_209 : vector<1x16xf32> to vector<16xf32>
        %swap3A_211 = vector.shape_cast %max3A_206 : vector<16xf32> to vector<1x16xf32>
        tpu.vector_store %arg13[%swap3A_207, %swap3A_208], %swap3A_211 {strides = array<i32>} : memref<80x128xf32, #tpu.memory_space<vmem>>, vector<1x16xf32>,
        %get3A_212 = arith.index_cast %add3A_127 : i32 to index
        %get3A_213 = arith.constant 80 : index
        %get3A_214 = tpu.vector_load %arg13[%get3A_212, %get3A_213] {strides = array<i32>} : memref<80x128xf32, #tpu.memory_space<vmem>>, vector<1x16xf32>,
        %get3A_215 = vector.shape_cast %get3A_214 : vector<1x16xf32> to vector<16xf32>
        %get3A_216 = arith.index_cast %add3A_127 : i32 to index
        %get3A_217 = arith.constant 80 : index
        %get3A_218 = tpu.vector_load %arg14[%get3A_216, %get3A_217] {strides = array<i32>} : memref<80x128xf32, #tpu.memory_space<vmem>>, vector<1x16xf32>,
        %get3A_219 = vector.shape_cast %get3A_218 : vector<1x16xf32> to vector<16xf32>
        %add3A_220 = arith.addf %get3A_215, %get3A_219 : vector<16xf32>
        %max3A_221 = arith.constant 0.000000e+00 : f32
        %max3A_222 = vector.broadcast %max3A_221 : f32 to vector<16xf32>
        %max3A_223 = arith.maximumf %add3A_220, %max3A_222 : vector<16xf32>
        %swap3A_224 = arith.index_cast %add3A_127 : i32 to index
        %swap3A_225 = arith.constant 80 : index
        %swap3A_226 = tpu.vector_load %arg13[%swap3A_224, %swap3A_225] {strides = array<i32>} : memref<80x128xf32, #tpu.memory_space<vmem>>, vector<1x16xf32>,
        %swap3A_227 = vector.shape_cast %swap3A_226 : vector<1x16xf32> to vector<16xf32>
        %swap3A_228 = vector.shape_cast %max3A_223 : vector<16xf32> to vector<1x16xf32>
        tpu.vector_store %arg13[%swap3A_224, %swap3A_225], %swap3A_228 {strides = array<i32>} : memref<80x128xf32, #tpu.memory_space<vmem>>, vector<1x16xf32>,
        %get3A_229 = arith.index_cast %add3A_127 : i32 to index
        %get3A_230 = arith.constant 96 : index
        %get3A_231 = tpu.vector_load %arg13[%get3A_229, %get3A_230] {strides = array<i32>} : memref<80x128xf32, #tpu.memory_space<vmem>>, vector<1x16xf32>,
        %get3A_232 = vector.shape_cast %get3A_231 : vector<1x16xf32> to vector<16xf32>
        %get3A_233 = arith.index_cast %add3A_127 : i32 to index
        %get3A_234 = arith.constant 96 : index
        %get3A_235 = tpu.vector_load %arg14[%get3A_233, %get3A_234] {strides = array<i32>} : memref<80x128xf32, #tpu.memory_space<vmem>>, vector<1x16xf32>,
        %get3A_236 = vector.shape_cast %get3A_235 : vector<1x16xf32> to vector<16xf32>
        %add3A_237 = arith.addf %get3A_232, %get3A_236 : vector<16xf32>
        %max3A_238 = arith.constant 0.000000e+00 : f32
        %max3A_239 = vector.broadcast %max3A_238 : f32 to vector<16xf32>
        %max3A_240 = arith.maximumf %add3A_237, %max3A_239 : vector<16xf32>
        %swap3A_241 = arith.index_cast %add3A_127 : i32 to index
        %swap3A_242 = arith.constant 96 : index
        %swap3A_243 = tpu.vector_load %arg13[%swap3A_241, %swap3A_242] {strides = array<i32>} : memref<80x128xf32, #tpu.memory_space<vmem>>, vector<1x16xf32>,
        %swap3A_244 = vector.shape_cast %swap3A_243 : vector<1x16xf32> to vector<16xf32>
        %swap3A_245 = vector.shape_cast %max3A_240 : vector<16xf32> to vector<1x16xf32>
        tpu.vector_store %arg13[%swap3A_241, %swap3A_242], %swap3A_245 {strides = array<i32>} : memref<80x128xf32, #tpu.memory_space<vmem>>, vector<1x16xf32>,
        %get3A_246 = arith.index_cast %add3A_127 : i32 to index
        %get3A_247 = arith.constant 112 : index
        %get3A_248 = tpu.vector_load %arg13[%get3A_246, %get3A_247] {strides = array<i32>} : memref<80x128xf32, #tpu.memory_space<vmem>>, vector<1x16xf32>,
        %get3A_249 = vector.shape_cast %get3A_248 : vector<1x16xf32> to vector<16xf32>
        %get3A_250 = arith.index_cast %add3A_127 : i32 to index
        %get3A_251 = arith.constant 112 : index
        %get3A_252 = tpu.vector_load %arg14[%get3A_250, %get3A_251] {strides = array<i32>} : memref<80x128xf32, #tpu.memory_space<vmem>>, vector<1x16xf32>,
        %get3A_253 = vector.shape_cast %get3A_252 : vector<1x16xf32> to vector<16xf32>
        %add3A_254 = arith.addf %get3A_249, %get3A_253 : vector<16xf32>
        %max3A_255 = arith.constant 0.000000e+00 : f32
        %max3A_256 = vector.broadcast %max3A_255 : f32 to vector<16xf32>
        %max3A_257 = arith.maximumf %add3A_254, %max3A_256 : vector<16xf32>
        %swap3A_258 = arith.index_cast %add3A_127 : i32 to index
        %swap3A_259 = arith.constant 112 : index
        %swap3A_260 = tpu.vector_load %arg13[%swap3A_258, %swap3A_259] {strides = array<i32>} : memref<80x128xf32, #tpu.memory_space<vmem>>, vector<1x16xf32>,
        %swap3A_261 = vector.shape_cast %swap3A_260 : vector<1x16xf32> to vector<16xf32>
        %swap3A_262 = vector.shape_cast %max3A_257 : vector<16xf32> to vector<1x16xf32>
        tpu.vector_store %arg13[%swap3A_258, %swap3A_259], %swap3A_262 {strides = array<i32>} : memref<80x128xf32, #tpu.memory_space<vmem>>, vector<1x16xf32>,
      }
      %scan3A_122 = arith.constant 80 : i32
      "tpu.region"() ({
        %run_scoped3A = tpu.sem_alloc : memref<!tpu.dma_semaphore, #tpu.memory_space<semaphore_mem>>
        %dma_start3A_123 = arith.constant 0 : i32
        %dma_start3A_124 = arith.constant 0 : i32
        %dma_start3A_125 = tpu.memref_slice %arg8[%dma_start3A_123, %dma_start3A_124] : memref<10240x128xf32, #tpu.memory_space<vmem_shared>> -> memref<10240x128xf32, #tpu.memory_space<vmem_shared>>
        tpu.enqueue_indirect_dma source(%arg13 : memref<80x128xf32, #tpu.memory_space<vmem>>) target(%dma_start3A_125 : memref<10240x128xf32, #tpu.memory_space<vmem_shared>>) offsets(%arg10 : memref<80xi32, #tpu.memory_space<vmem>>) semaphore(%run_scoped3A : memref<!tpu.dma_semaphore, #tpu.memory_space<semaphore_mem>>) {add = true}
        %dma_wait3A_126 = arith.constant 0 : i32
        %dma_wait3A_127 = arith.constant 0 : i32
        %dma_wait3A_128 = tpu.memref_slice %arg8[%dma_wait3A_126, %dma_wait3A_127] : memref<10240x128xf32, #tpu.memory_space<vmem_shared>> -> memref<10240x128xf32, #tpu.memory_space<vmem_shared>>
        tpu.wait_indirect_dma semaphore(%run_scoped3A : memref<!tpu.dma_semaphore, #tpu.memory_space<semaphore_mem>>) src(%arg13 : memref<80x128xf32, #tpu.memory_space<vmem>>) dst(%dma_wait3A_128 : memref<10240x128xf32, #tpu.memory_space<vmem_shared>>)
        tpu.yield
      }) : () -> ()
    }
    %scan3A_8 = arith.constant 250 : i32
    %barrier3A_9 = arith.constant 0 : index
    tpu.barrier barrier_id(%barrier3A_9)
    %add3A = arith.addi %mul3A_4, %mul3A_0 : i32
    "tpu.region"() ({
      %run_scoped3A = tpu.sem_alloc : memref<!tpu.dma_semaphore, #tpu.memory_space<semaphore_mem>>
      %dma_start3A = arith.constant 0 : i32
      %dma_start3A_10 = tpu.memref_slice %arg7[%add3A, %dma_start3A] : memref<20480x128xf32, #tpu.memory_space<hbm>> -> memref<640x128xf32, #tpu.memory_space<hbm>>
      %dma_start3A_11 = arith.constant 0 : i32
      %dma_start3A_12 = tpu.memref_slice %arg8[%mul3A_0, %dma_start3A_11] : memref<10240x128xf32, #tpu.memory_space<vmem_shared>> -> memref<640x128xf32, #tpu.memory_space<vmem_shared>>
      tpu.enqueue_dma source(%dma_start3A_12 : memref<640x128xf32, #tpu.memory_space<vmem_shared>>) target(%dma_start3A_10 : memref<640x128xf32, #tpu.memory_space<hbm>>) target_semaphore(%run_scoped3A : memref<!tpu.dma_semaphore, #tpu.memory_space<semaphore_mem>>)
      %dma_wait3A = arith.constant 0 : i32
      %dma_wait3A_13 = tpu.memref_slice %arg7[%add3A, %dma_wait3A] : memref<20480x128xf32, #tpu.memory_space<hbm>> -> memref<640x128xf32, #tpu.memory_space<hbm>>
      %dma_wait3A_14 = arith.constant 0 : i32
      %dma_wait3A_15 = tpu.memref_slice %arg8[%mul3A_0, %dma_wait3A_14] : memref<10240x128xf32, #tpu.memory_space<vmem_shared>> -> memref<640x128xf32, #tpu.memory_space<vmem_shared>>
      tpu.wait_dma2 semaphore(%run_scoped3A : memref<!tpu.dma_semaphore, #tpu.memory_space<semaphore_mem>>) src(%dma_wait3A_15 : memref<640x128xf32, #tpu.memory_space<vmem_shared>>) dst(%dma_wait3A_13 : memref<640x128xf32, #tpu.memory_space<hbm>>)
      tpu.yield
    }) : () -> ()
    return
  }
}

module attributes {stable_mosaic.version = 14 : i64} {
  func.func @_embed_body(%arg0: i32, %arg1: memref<1000x128xf32, #tpu.memory_space<vmem>>, %arg2: memref<128x256xf32, #tpu.memory_space<vmem>>, %arg3: memref<1x256xf32, #tpu.memory_space<vmem>>, %arg4: memref<512x256xf32, #tpu.memory_space<vmem>>, %arg5: memref<1x256xf32, #tpu.memory_space<vmem>>, %arg6: memref<1000x256xf32, #tpu.memory_space<vmem>>, %arg7: memref<2x1000x128xf32, #tpu.memory_space<vmem>>, %arg8: memref<2x1000x128xf32, #tpu.memory_space<vmem>>) attributes {dimension_semantics = [#tpu.dimension_semantics<arbitrary>], iteration_bounds = array<i64: 10>, scalar_prefetch = 0 : i64, scratch_operands = 0 : i64, tpu.core_type = #tpu.core_type<tc>, window_params = [{transform_indices = @transform_0, window_bounds = array<i64: 1000, 128>}, {pipeline_mode = #tpu.pipeline_mode<synchronous>, transform_indices = @transform_1, window_bounds = array<i64: 128, 256>}, {pipeline_mode = #tpu.pipeline_mode<synchronous>, transform_indices = @transform_2, window_bounds = array<i64: 1, 256>}, {pipeline_mode = #tpu.pipeline_mode<synchronous>, transform_indices = @transform_3, window_bounds = array<i64: 512, 256>}, {pipeline_mode = #tpu.pipeline_mode<synchronous>, transform_indices = @transform_4, window_bounds = array<i64: 1, 256>}, {transform_indices = @transform_5, window_bounds = array<i64: 1000, 256>}, {transform_indices = @transform_6, window_bounds = array<i64: 2, 1000, 128>}, {transform_indices = @transform_7, window_bounds = array<i64: 2, 1000, 128>}]} {
    %get3A = arith.constant 0 : index
    %get3A_0 = arith.constant 0 : index
    %get3A_1 = vector.load %arg1[%get3A, %get3A_0] : memref<1000x128xf32, #tpu.memory_space<vmem>>, vector<1000x128xf32>
    %get3A_2 = arith.constant 0 : index
    %get3A_3 = arith.constant 0 : index
    %get3A_4 = vector.load %arg2[%get3A_2, %get3A_3] : memref<128x256xf32, #tpu.memory_space<vmem>>, vector<128x256xf32>
    %dot_general3A = arith.constant dense<0.000000e+00> : vector<1000x256xf32>
    %dot_general3A_5 = tpu.matmul %get3A_1, %get3A_4, %dot_general3A {dimension_numbers = #tpu.dot_dimension_numbers<[1], [0], [0], [1], [0, 0, 1, 1], [], []>, transpose_lhs_hint = false} : vector<1000x128xf32>, vector<128x256xf32>, vector<1000x256xf32> -> vector<1000x256xf32>
    %get3A_6 = arith.constant 0 : index
    %get3A_7 = arith.constant 0 : index
    %get3A_8 = vector.load %arg3[%get3A_6, %get3A_7] : memref<1x256xf32, #tpu.memory_space<vmem>>, vector<1x256xf32>
    %add3A = vector.broadcast %get3A_8 : vector<1x256xf32> to vector<1000x256xf32>
    %add3A_9 = arith.addf %dot_general3A_5, %add3A : vector<1000x256xf32>
    %max3A = arith.constant 0.000000e+00 : f32
    %max3A_10 = vector.broadcast %max3A : f32 to vector<1000x256xf32>
    %max3A_11 = arith.maximumf %add3A_9, %max3A_10 : vector<1000x256xf32>
    %swap3A = arith.constant 0 : index
    %swap3A_12 = arith.constant 0 : index
    %swap3A_13 = vector.load %arg6[%swap3A, %swap3A_12] : memref<1000x256xf32, #tpu.memory_space<vmem>>, vector<1000x256xf32>
    tpu.vector_store %arg6[%swap3A, %swap3A_12], %max3A_11 {strides = array<i32>} : memref<1000x256xf32, #tpu.memory_space<vmem>>, vector<1000x256xf32>,
    %get3A_14 = arith.constant 0 : index
    %get3A_15 = arith.constant 0 : index
    %get3A_16 = vector.load %arg4[%get3A_14, %get3A_15] : memref<512x256xf32, #tpu.memory_space<vmem>>, vector<512x256xf32>
    %slice3A = vector.extract_strided_slice %get3A_16 {offsets = [0, 0], sizes = [256, 256], strides = [1, 1]} : vector<512x256xf32> to vector<256x256xf32>
    %dot_general3A_17 = arith.constant dense<0.000000e+00> : vector<1000x256xf32>
    %dot_general3A_18 = tpu.matmul %max3A_11, %slice3A, %dot_general3A_17 {dimension_numbers = #tpu.dot_dimension_numbers<[1], [0], [0], [1], [0, 0, 1, 1], [], []>, transpose_lhs_hint = false} : vector<1000x256xf32>, vector<256x256xf32>, vector<1000x256xf32> -> vector<1000x256xf32>
    %slice3A_19 = vector.extract_strided_slice %get3A_16 {offsets = [256, 0], sizes = [256, 256], strides = [1, 1]} : vector<512x256xf32> to vector<256x256xf32>
    %dot_general3A_20 = arith.constant dense<0.000000e+00> : vector<1000x256xf32>
    %dot_general3A_21 = tpu.matmul %max3A_11, %slice3A_19, %dot_general3A_20 {dimension_numbers = #tpu.dot_dimension_numbers<[1], [0], [0], [1], [0, 0, 1, 1], [], []>, transpose_lhs_hint = false} : vector<1000x256xf32>, vector<256x256xf32>, vector<1000x256xf32> -> vector<1000x256xf32>
    %get3A_22 = arith.constant 0 : index
    %get3A_23 = arith.constant 0 : index
    %get3A_24 = vector.load %arg5[%get3A_22, %get3A_23] : memref<1x256xf32, #tpu.memory_space<vmem>>, vector<1x256xf32>
    %add3A_25 = vector.broadcast %get3A_24 : vector<1x256xf32> to vector<1000x256xf32>
    %add3A_26 = arith.addf %dot_general3A_21, %add3A_25 : vector<1000x256xf32>
    %slice3A_27 = vector.extract_strided_slice %dot_general3A_18 {offsets = [0, 0], sizes = [1000, 128], strides = [1, 1]} : vector<1000x256xf32> to vector<1000x128xf32>
    %swap3A_28 = arith.constant 0 : index
    %swap3A_29 = arith.constant 0 : index
    %swap3A_30 = arith.constant 0 : index
    %swap3A_31 = vector.load %arg7[%swap3A_28, %swap3A_29, %swap3A_30] : memref<2x1000x128xf32, #tpu.memory_space<vmem>>, vector<1x1000x128xf32>
    %swap3A_32 = vector.shape_cast %swap3A_31 : vector<1x1000x128xf32> to vector<1000x128xf32>
    %swap3A_33 = vector.shape_cast %slice3A_27 : vector<1000x128xf32> to vector<1x1000x128xf32>
    tpu.vector_store %arg7[%swap3A_28, %swap3A_29, %swap3A_30], %swap3A_33 {strides = array<i32>} : memref<2x1000x128xf32, #tpu.memory_space<vmem>>, vector<1x1000x128xf32>,
    %slice3A_34 = vector.extract_strided_slice %dot_general3A_18 {offsets = [0, 128], sizes = [1000, 128], strides = [1, 1]} : vector<1000x256xf32> to vector<1000x128xf32>
    %swap3A_35 = arith.constant 1 : index
    %swap3A_36 = arith.constant 0 : index
    %swap3A_37 = arith.constant 0 : index
    %swap3A_38 = vector.load %arg7[%swap3A_35, %swap3A_36, %swap3A_37] : memref<2x1000x128xf32, #tpu.memory_space<vmem>>, vector<1x1000x128xf32>
    %swap3A_39 = vector.shape_cast %swap3A_38 : vector<1x1000x128xf32> to vector<1000x128xf32>
    %swap3A_40 = vector.shape_cast %slice3A_34 : vector<1000x128xf32> to vector<1x1000x128xf32>
    tpu.vector_store %arg7[%swap3A_35, %swap3A_36, %swap3A_37], %swap3A_40 {strides = array<i32>} : memref<2x1000x128xf32, #tpu.memory_space<vmem>>, vector<1x1000x128xf32>,
    %slice3A_41 = vector.extract_strided_slice %add3A_26 {offsets = [0, 0], sizes = [1000, 128], strides = [1, 1]} : vector<1000x256xf32> to vector<1000x128xf32>
    %swap3A_42 = arith.constant 0 : index
    %swap3A_43 = arith.constant 0 : index
    %swap3A_44 = arith.constant 0 : index
    %swap3A_45 = vector.load %arg8[%swap3A_42, %swap3A_43, %swap3A_44] : memref<2x1000x128xf32, #tpu.memory_space<vmem>>, vector<1x1000x128xf32>
    %swap3A_46 = vector.shape_cast %swap3A_45 : vector<1x1000x128xf32> to vector<1000x128xf32>
    %swap3A_47 = vector.shape_cast %slice3A_41 : vector<1000x128xf32> to vector<1x1000x128xf32>
    tpu.vector_store %arg8[%swap3A_42, %swap3A_43, %swap3A_44], %swap3A_47 {strides = array<i32>} : memref<2x1000x128xf32, #tpu.memory_space<vmem>>, vector<1x1000x128xf32>,
    %slice3A_48 = vector.extract_strided_slice %add3A_26 {offsets = [0, 128], sizes = [1000, 128], strides = [1, 1]} : vector<1000x256xf32> to vector<1000x128xf32>
    %swap3A_49 = arith.constant 1 : index
    %swap3A_50 = arith.constant 0 : index
    %swap3A_51 = arith.constant 0 : index
    %swap3A_52 = vector.load %arg8[%swap3A_49, %swap3A_50, %swap3A_51] : memref<2x1000x128xf32, #tpu.memory_space<vmem>>, vector<1x1000x128xf32>
    %swap3A_53 = vector.shape_cast %swap3A_52 : vector<1x1000x128xf32> to vector<1000x128xf32>
    %swap3A_54 = vector.shape_cast %slice3A_48 : vector<1000x128xf32> to vector<1x1000x128xf32>
    tpu.vector_store %arg8[%swap3A_49, %swap3A_50, %swap3A_51], %swap3A_54 {strides = array<i32>} : memref<2x1000x128xf32, #tpu.memory_space<vmem>>, vector<1x1000x128xf32>,
    return
  }
  func.func @transform_0(%arg0: i32) -> (i32, i32) {
    %c0_i32 = arith.constant 0 : i32
    %c0_i32_0 = arith.constant 0 : i32
    return %arg0, %c0_i32 : i32, i32
  }
  func.func @transform_1(%arg0: i32) -> (i32, i32) {
    %c0_i32 = arith.constant 0 : i32
    %c0_i32_0 = arith.constant 0 : i32
    %c0_i32_1 = arith.constant 0 : i32
    return %c0_i32, %c0_i32_0 : i32, i32
  }
  func.func @transform_2(%arg0: i32) -> (i32, i32) {
    %c0_i32 = arith.constant 0 : i32
    %c0_i32_0 = arith.constant 0 : i32
    %c0_i32_1 = arith.constant 0 : i32
    return %c0_i32, %c0_i32_0 : i32, i32
  }
  func.func @transform_3(%arg0: i32) -> (i32, i32) {
    %c0_i32 = arith.constant 0 : i32
    %c0_i32_0 = arith.constant 0 : i32
    %c0_i32_1 = arith.constant 0 : i32
    return %c0_i32, %c0_i32_0 : i32, i32
  }
  func.func @transform_4(%arg0: i32) -> (i32, i32) {
    %c0_i32 = arith.constant 0 : i32
    %c0_i32_0 = arith.constant 0 : i32
    %c0_i32_1 = arith.constant 0 : i32
    return %c0_i32, %c0_i32_0 : i32, i32
  }
  func.func @transform_5(%arg0: i32) -> (i32, i32) {
    %c0_i32 = arith.constant 0 : i32
    %c0_i32_0 = arith.constant 0 : i32
    return %arg0, %c0_i32 : i32, i32
  }
  func.func @transform_6(%arg0: i32) -> (i32, i32, i32) {
    %c0_i32 = arith.constant 0 : i32
    %c0_i32_0 = arith.constant 0 : i32
    %c0_i32_1 = arith.constant 0 : i32
    return %c0_i32, %arg0, %c0_i32_0 : i32, i32, i32
  }
  func.func @transform_7(%arg0: i32) -> (i32, i32, i32) {
    %c0_i32 = arith.constant 0 : i32
    %c0_i32_0 = arith.constant 0 : i32
    %c0_i32_1 = arith.constant 0 : i32
    return %c0_i32, %arg0, %c0_i32_0 : i32, i32, i32
  }
}

module attributes {stable_mosaic.version = 14 : i64} {
  func.func @_combine_body(%arg0: i32, %arg1: memref<1000x256xf32, #tpu.memory_space<vmem>>, %arg2: memref<2x1000x128xf32, #tpu.memory_space<vmem>>, %arg3: memref<512x256xf32, #tpu.memory_space<vmem>>, %arg4: memref<1x256xf32, #tpu.memory_space<vmem>>, %arg5: memref<1000x256xf32, #tpu.memory_space<vmem>>, %arg6: memref<2x1000x128xf32, #tpu.memory_space<vmem>>, %arg7: memref<2x1000x128xf32, #tpu.memory_space<vmem>>) attributes {dimension_semantics = [#tpu.dimension_semantics<arbitrary>], iteration_bounds = array<i64: 10>, scalar_prefetch = 0 : i64, scratch_operands = 0 : i64, tpu.core_type = #tpu.core_type<tc>, window_params = [{transform_indices = @transform_0, window_bounds = array<i64: 1000, 256>}, {transform_indices = @transform_1, window_bounds = array<i64: 2, 1000, 128>}, {pipeline_mode = #tpu.pipeline_mode<synchronous>, transform_indices = @transform_2, window_bounds = array<i64: 512, 256>}, {pipeline_mode = #tpu.pipeline_mode<synchronous>, transform_indices = @transform_3, window_bounds = array<i64: 1, 256>}, {transform_indices = @transform_4, window_bounds = array<i64: 1000, 256>}, {transform_indices = @transform_5, window_bounds = array<i64: 2, 1000, 128>}, {transform_indices = @transform_6, window_bounds = array<i64: 2, 1000, 128>}]} {
    %get3A = arith.constant 0 : index
    %get3A_0 = arith.constant 0 : index
    %get3A_1 = vector.load %arg1[%get3A, %get3A_0] : memref<1000x256xf32, #tpu.memory_space<vmem>>, vector<1000x256xf32>
    %get3A_2 = arith.constant 0 : index
    %get3A_3 = arith.constant 0 : index
    %get3A_4 = arith.constant 0 : index
    %get3A_5 = vector.load %arg2[%get3A_2, %get3A_3, %get3A_4] : memref<2x1000x128xf32, #tpu.memory_space<vmem>>, vector<1x1000x128xf32>
    %get3A_6 = vector.shape_cast %get3A_5 : vector<1x1000x128xf32> to vector<1000x128xf32>
    %get3A_7 = arith.constant 1 : index
    %get3A_8 = arith.constant 0 : index
    %get3A_9 = arith.constant 0 : index
    %get3A_10 = vector.load %arg2[%get3A_7, %get3A_8, %get3A_9] : memref<2x1000x128xf32, #tpu.memory_space<vmem>>, vector<1x1000x128xf32>
    %get3A_11 = vector.shape_cast %get3A_10 : vector<1x1000x128xf32> to vector<1000x128xf32>
    %concatenate3A = tpu.concatenate %get3A_6, %get3A_11 in 1 : vector<1000x128xf32>, vector<1000x128xf32> -> vector<1000x256xf32>
    %add3A = arith.addf %get3A_1, %concatenate3A : vector<1000x256xf32>
    %swap3A = arith.constant 0 : index
    %swap3A_12 = arith.constant 0 : index
    %swap3A_13 = vector.load %arg5[%swap3A, %swap3A_12] : memref<1000x256xf32, #tpu.memory_space<vmem>>, vector<1000x256xf32>
    tpu.vector_store %arg5[%swap3A, %swap3A_12], %add3A {strides = array<i32>} : memref<1000x256xf32, #tpu.memory_space<vmem>>, vector<1000x256xf32>,
    %get3A_14 = arith.constant 0 : index
    %get3A_15 = arith.constant 0 : index
    %get3A_16 = vector.load %arg3[%get3A_14, %get3A_15] : memref<512x256xf32, #tpu.memory_space<vmem>>, vector<512x256xf32>
    %slice3A = vector.extract_strided_slice %get3A_16 {offsets = [0, 0], sizes = [256, 256], strides = [1, 1]} : vector<512x256xf32> to vector<256x256xf32>
    %dot_general3A = arith.constant dense<0.000000e+00> : vector<1000x256xf32>
    %dot_general3A_17 = tpu.matmul %add3A, %slice3A, %dot_general3A {dimension_numbers = #tpu.dot_dimension_numbers<[1], [0], [0], [1], [0, 0, 1, 1], [], []>, transpose_lhs_hint = false} : vector<1000x256xf32>, vector<256x256xf32>, vector<1000x256xf32> -> vector<1000x256xf32>
    %slice3A_18 = vector.extract_strided_slice %get3A_16 {offsets = [256, 0], sizes = [256, 256], strides = [1, 1]} : vector<512x256xf32> to vector<256x256xf32>
    %dot_general3A_19 = arith.constant dense<0.000000e+00> : vector<1000x256xf32>
    %dot_general3A_20 = tpu.matmul %add3A, %slice3A_18, %dot_general3A_19 {dimension_numbers = #tpu.dot_dimension_numbers<[1], [0], [0], [1], [0, 0, 1, 1], [], []>, transpose_lhs_hint = false} : vector<1000x256xf32>, vector<256x256xf32>, vector<1000x256xf32> -> vector<1000x256xf32>
    %get3A_21 = arith.constant 0 : index
    %get3A_22 = arith.constant 0 : index
    %get3A_23 = vector.load %arg4[%get3A_21, %get3A_22] : memref<1x256xf32, #tpu.memory_space<vmem>>, vector<1x256xf32>
    %add3A_24 = vector.broadcast %get3A_23 : vector<1x256xf32> to vector<1000x256xf32>
    %add3A_25 = arith.addf %dot_general3A_20, %add3A_24 : vector<1000x256xf32>
    %slice3A_26 = vector.extract_strided_slice %dot_general3A_17 {offsets = [0, 0], sizes = [1000, 128], strides = [1, 1]} : vector<1000x256xf32> to vector<1000x128xf32>
    %swap3A_27 = arith.constant 0 : index
    %swap3A_28 = arith.constant 0 : index
    %swap3A_29 = arith.constant 0 : index
    %swap3A_30 = vector.load %arg6[%swap3A_27, %swap3A_28, %swap3A_29] : memref<2x1000x128xf32, #tpu.memory_space<vmem>>, vector<1x1000x128xf32>
    %swap3A_31 = vector.shape_cast %swap3A_30 : vector<1x1000x128xf32> to vector<1000x128xf32>
    %swap3A_32 = vector.shape_cast %slice3A_26 : vector<1000x128xf32> to vector<1x1000x128xf32>
    tpu.vector_store %arg6[%swap3A_27, %swap3A_28, %swap3A_29], %swap3A_32 {strides = array<i32>} : memref<2x1000x128xf32, #tpu.memory_space<vmem>>, vector<1x1000x128xf32>,
    %slice3A_33 = vector.extract_strided_slice %dot_general3A_17 {offsets = [0, 128], sizes = [1000, 128], strides = [1, 1]} : vector<1000x256xf32> to vector<1000x128xf32>
    %swap3A_34 = arith.constant 1 : index
    %swap3A_35 = arith.constant 0 : index
    %swap3A_36 = arith.constant 0 : index
    %swap3A_37 = vector.load %arg6[%swap3A_34, %swap3A_35, %swap3A_36] : memref<2x1000x128xf32, #tpu.memory_space<vmem>>, vector<1x1000x128xf32>
    %swap3A_38 = vector.shape_cast %swap3A_37 : vector<1x1000x128xf32> to vector<1000x128xf32>
    %swap3A_39 = vector.shape_cast %slice3A_33 : vector<1000x128xf32> to vector<1x1000x128xf32>
    tpu.vector_store %arg6[%swap3A_34, %swap3A_35, %swap3A_36], %swap3A_39 {strides = array<i32>} : memref<2x1000x128xf32, #tpu.memory_space<vmem>>, vector<1x1000x128xf32>,
    %slice3A_40 = vector.extract_strided_slice %add3A_25 {offsets = [0, 0], sizes = [1000, 128], strides = [1, 1]} : vector<1000x256xf32> to vector<1000x128xf32>
    %swap3A_41 = arith.constant 0 : index
    %swap3A_42 = arith.constant 0 : index
    %swap3A_43 = arith.constant 0 : index
    %swap3A_44 = vector.load %arg7[%swap3A_41, %swap3A_42, %swap3A_43] : memref<2x1000x128xf32, #tpu.memory_space<vmem>>, vector<1x1000x128xf32>
    %swap3A_45 = vector.shape_cast %swap3A_44 : vector<1x1000x128xf32> to vector<1000x128xf32>
    %swap3A_46 = vector.shape_cast %slice3A_40 : vector<1000x128xf32> to vector<1x1000x128xf32>
    tpu.vector_store %arg7[%swap3A_41, %swap3A_42, %swap3A_43], %swap3A_46 {strides = array<i32>} : memref<2x1000x128xf32, #tpu.memory_space<vmem>>, vector<1x1000x128xf32>,
    %slice3A_47 = vector.extract_strided_slice %add3A_25 {offsets = [0, 128], sizes = [1000, 128], strides = [1, 1]} : vector<1000x256xf32> to vector<1000x128xf32>
    %swap3A_48 = arith.constant 1 : index
    %swap3A_49 = arith.constant 0 : index
    %swap3A_50 = arith.constant 0 : index
    %swap3A_51 = vector.load %arg7[%swap3A_48, %swap3A_49, %swap3A_50] : memref<2x1000x128xf32, #tpu.memory_space<vmem>>, vector<1x1000x128xf32>
    %swap3A_52 = vector.shape_cast %swap3A_51 : vector<1x1000x128xf32> to vector<1000x128xf32>
    %swap3A_53 = vector.shape_cast %slice3A_47 : vector<1000x128xf32> to vector<1x1000x128xf32>
    tpu.vector_store %arg7[%swap3A_48, %swap3A_49, %swap3A_50], %swap3A_53 {strides = array<i32>} : memref<2x1000x128xf32, #tpu.memory_space<vmem>>, vector<1x1000x128xf32>,
    return
  }
  func.func @transform_0(%arg0: i32) -> (i32, i32) {
    %c0_i32 = arith.constant 0 : i32
    %c0_i32_0 = arith.constant 0 : i32
    return %arg0, %c0_i32 : i32, i32
  }
  func.func @transform_1(%arg0: i32) -> (i32, i32, i32) {
    %c0_i32 = arith.constant 0 : i32
    %c0_i32_0 = arith.constant 0 : i32
    %c0_i32_1 = arith.constant 0 : i32
    return %c0_i32, %arg0, %c0_i32_0 : i32, i32, i32
  }
  func.func @transform_2(%arg0: i32) -> (i32, i32) {
    %c0_i32 = arith.constant 0 : i32
    %c0_i32_0 = arith.constant 0 : i32
    %c0_i32_1 = arith.constant 0 : i32
    return %c0_i32, %c0_i32_0 : i32, i32
  }
  func.func @transform_3(%arg0: i32) -> (i32, i32) {
    %c0_i32 = arith.constant 0 : i32
    %c0_i32_0 = arith.constant 0 : i32
    %c0_i32_1 = arith.constant 0 : i32
    return %c0_i32, %c0_i32_0 : i32, i32
  }
  func.func @transform_4(%arg0: i32) -> (i32, i32) {
    %c0_i32 = arith.constant 0 : i32
    %c0_i32_0 = arith.constant 0 : i32
    return %arg0, %c0_i32 : i32, i32
  }
  func.func @transform_5(%arg0: i32) -> (i32, i32, i32) {
    %c0_i32 = arith.constant 0 : i32
    %c0_i32_0 = arith.constant 0 : i32
    %c0_i32_1 = arith.constant 0 : i32
    return %c0_i32, %arg0, %c0_i32_0 : i32, i32, i32
  }
  func.func @transform_6(%arg0: i32) -> (i32, i32, i32) {
    %c0_i32 = arith.constant 0 : i32
    %c0_i32_0 = arith.constant 0 : i32
    %c0_i32_1 = arith.constant 0 : i32
    return %c0_i32, %arg0, %c0_i32_0 : i32, i32, i32
  }
}

module attributes {stable_mosaic.version = 14 : i64} {
  func.func @_final_body(%arg0: i32, %arg1: memref<10000x256xf32, #tpu.memory_space<vmem>>, %arg2: memref<2x10000x128xf32, #tpu.memory_space<vmem>>, %arg3: memref<512x256xf32, #tpu.memory_space<vmem>>, %arg4: memref<1x256xf32, #tpu.memory_space<vmem>>, %arg5: memref<256x128xf32, #tpu.memory_space<vmem>>, %arg6: memref<1x128xf32, #tpu.memory_space<vmem>>, %arg7: memref<10000x256xf32, #tpu.memory_space<vmem>>, %arg8: memref<1x128xf32, #tpu.memory_space<vmem>>) attributes {dimension_semantics = [#tpu.dimension_semantics<arbitrary>], iteration_bounds = array<i64: 1>, scalar_prefetch = 0 : i64, scratch_operands = 0 : i64, tpu.core_type = #tpu.core_type<tc>, window_params = [{pipeline_mode = #tpu.pipeline_mode<synchronous>, transform_indices = @transform_0, window_bounds = array<i64: 10000, 256>}, {transform_indices = @transform_1, window_bounds = array<i64: 2, 10000, 128>}, {pipeline_mode = #tpu.pipeline_mode<synchronous>, transform_indices = @transform_2, window_bounds = array<i64: 512, 256>}, {pipeline_mode = #tpu.pipeline_mode<synchronous>, transform_indices = @transform_3, window_bounds = array<i64: 1, 256>}, {pipeline_mode = #tpu.pipeline_mode<synchronous>, transform_indices = @transform_4, window_bounds = array<i64: 256, 128>}, {pipeline_mode = #tpu.pipeline_mode<synchronous>, transform_indices = @transform_5, window_bounds = array<i64: 1, 128>}, {pipeline_mode = #tpu.pipeline_mode<synchronous>, transform_indices = @transform_6, window_bounds = array<i64: 10000, 256>}, {pipeline_mode = #tpu.pipeline_mode<synchronous>, transform_indices = @transform_7, window_bounds = array<i64: 1, 128>}]} {
    %get3A = arith.constant 0 : index
    %get3A_0 = arith.constant 0 : index
    %get3A_1 = vector.load %arg1[%get3A, %get3A_0] : memref<10000x256xf32, #tpu.memory_space<vmem>>, vector<10000x256xf32>
    %get3A_2 = arith.constant 0 : index
    %get3A_3 = arith.constant 0 : index
    %get3A_4 = arith.constant 0 : index
    %get3A_5 = vector.load %arg2[%get3A_2, %get3A_3, %get3A_4] : memref<2x10000x128xf32, #tpu.memory_space<vmem>>, vector<1x10000x128xf32>
    %get3A_6 = vector.shape_cast %get3A_5 : vector<1x10000x128xf32> to vector<10000x128xf32>
    %get3A_7 = arith.constant 1 : index
    %get3A_8 = arith.constant 0 : index
    %get3A_9 = arith.constant 0 : index
    %get3A_10 = vector.load %arg2[%get3A_7, %get3A_8, %get3A_9] : memref<2x10000x128xf32, #tpu.memory_space<vmem>>, vector<1x10000x128xf32>
    %get3A_11 = vector.shape_cast %get3A_10 : vector<1x10000x128xf32> to vector<10000x128xf32>
    %concatenate3A = tpu.concatenate %get3A_6, %get3A_11 in 1 : vector<10000x128xf32>, vector<10000x128xf32> -> vector<10000x256xf32>
    %add3A = arith.addf %get3A_1, %concatenate3A : vector<10000x256xf32>
    %swap3A = arith.constant 0 : index
    %swap3A_12 = arith.constant 0 : index
    %swap3A_13 = vector.load %arg7[%swap3A, %swap3A_12] : memref<10000x256xf32, #tpu.memory_space<vmem>>, vector<10000x256xf32>
    tpu.vector_store %arg7[%swap3A, %swap3A_12], %add3A {strides = array<i32>} : memref<10000x256xf32, #tpu.memory_space<vmem>>, vector<10000x256xf32>,
    %reduce_sum3A = arith.constant dense<0.000000e+00> : vector<256xf32>
    %reduce_sum3A_14 = vector.multi_reduction <add>, %add3A, %reduce_sum3A [0] : vector<10000x256xf32> to vector<256xf32>
    %broadcast_in_dim3A = vector.shape_cast %reduce_sum3A_14 : vector<256xf32> to vector<1x256xf32>
    %div3A = arith.constant 1.000000e+04 : f32
    %div3A_15 = vector.broadcast %div3A : f32 to vector<1x256xf32>
    %div3A_16 = arith.divf %broadcast_in_dim3A, %div3A_15 : vector<1x256xf32>
    %slice3A = vector.extract_strided_slice %add3A {offsets = [0, 0], sizes = [1, 256], strides = [1, 1]} : vector<10000x256xf32> to vector<1x256xf32>
    %concatenate3A_17 = tpu.concatenate %slice3A, %div3A_16 in 1 : vector<1x256xf32>, vector<1x256xf32> -> vector<1x512xf32>
    %get3A_18 = arith.constant 0 : index
    %get3A_19 = arith.constant 0 : index
    %get3A_20 = vector.load %arg3[%get3A_18, %get3A_19] : memref<512x256xf32, #tpu.memory_space<vmem>>, vector<512x256xf32>
    %dot_general3A = arith.constant dense<0.000000e+00> : vector<1x256xf32>
    %dot_general3A_21 = tpu.matmul %concatenate3A_17, %get3A_20, %dot_general3A {dimension_numbers = #tpu.dot_dimension_numbers<[1], [0], [0], [1], [0, 0, 1, 1], [], []>, transpose_lhs_hint = false} : vector<1x512xf32>, vector<512x256xf32>, vector<1x256xf32> -> vector<1x256xf32>
    %get3A_22 = arith.constant 0 : index
    %get3A_23 = arith.constant 0 : index
    %get3A_24 = vector.load %arg4[%get3A_22, %get3A_23] : memref<1x256xf32, #tpu.memory_space<vmem>>, vector<1x256xf32>
    %add3A_25 = arith.addf %dot_general3A_21, %get3A_24 : vector<1x256xf32>
    %max3A = arith.constant 0.000000e+00 : f32
    %max3A_26 = vector.broadcast %max3A : f32 to vector<1x256xf32>
    %max3A_27 = arith.maximumf %add3A_25, %max3A_26 : vector<1x256xf32>
    %get3A_28 = arith.constant 0 : index
    %get3A_29 = arith.constant 0 : index
    %get3A_30 = vector.load %arg5[%get3A_28, %get3A_29] : memref<256x128xf32, #tpu.memory_space<vmem>>, vector<256x128xf32>
    %dot_general3A_31 = arith.constant dense<0.000000e+00> : vector<1x128xf32>
    %dot_general3A_32 = tpu.matmul %max3A_27, %get3A_30, %dot_general3A_31 {dimension_numbers = #tpu.dot_dimension_numbers<[1], [0], [0], [1], [0, 0, 1, 1], [], []>, transpose_lhs_hint = false} : vector<1x256xf32>, vector<256x128xf32>, vector<1x128xf32> -> vector<1x128xf32>
    %get3A_33 = arith.constant 0 : index
    %get3A_34 = arith.constant 0 : index
    %get3A_35 = vector.load %arg6[%get3A_33, %get3A_34] : memref<1x128xf32, #tpu.memory_space<vmem>>, vector<1x128xf32>
    %add3A_36 = arith.addf %dot_general3A_32, %get3A_35 : vector<1x128xf32>
    %swap3A_37 = arith.constant 0 : index
    %swap3A_38 = arith.constant 0 : index
    %swap3A_39 = vector.load %arg8[%swap3A_37, %swap3A_38] : memref<1x128xf32, #tpu.memory_space<vmem>>, vector<1x128xf32>
    tpu.vector_store %arg8[%swap3A_37, %swap3A_38], %add3A_36 {strides = array<i32>} : memref<1x128xf32, #tpu.memory_space<vmem>>, vector<1x128xf32>,
    return
  }
  func.func @transform_0(%arg0: i32) -> (i32, i32) {
    %c0_i32 = arith.constant 0 : i32
    %c0_i32_0 = arith.constant 0 : i32
    %c0_i32_1 = arith.constant 0 : i32
    return %c0_i32, %c0_i32_0 : i32, i32
  }
  func.func @transform_1(%arg0: i32) -> (i32, i32, i32) {
    %c0_i32 = arith.constant 0 : i32
    %c0_i32_0 = arith.constant 0 : i32
    %c0_i32_1 = arith.constant 0 : i32
    %c0_i32_2 = arith.constant 0 : i32
    return %c0_i32, %c0_i32_0, %c0_i32_1 : i32, i32, i32
  }
  func.func @transform_2(%arg0: i32) -> (i32, i32) {
    %c0_i32 = arith.constant 0 : i32
    %c0_i32_0 = arith.constant 0 : i32
    %c0_i32_1 = arith.constant 0 : i32
    return %c0_i32, %c0_i32_0 : i32, i32
  }
  func.func @transform_3(%arg0: i32) -> (i32, i32) {
    %c0_i32 = arith.constant 0 : i32
    %c0_i32_0 = arith.constant 0 : i32
    %c0_i32_1 = arith.constant 0 : i32
    return %c0_i32, %c0_i32_0 : i32, i32
  }
  func.func @transform_4(%arg0: i32) -> (i32, i32) {
    %c0_i32 = arith.constant 0 : i32
    %c0_i32_0 = arith.constant 0 : i32
    %c0_i32_1 = arith.constant 0 : i32
    return %c0_i32, %c0_i32_0 : i32, i32
  }
  func.func @transform_5(%arg0: i32) -> (i32, i32) {
    %c0_i32 = arith.constant 0 : i32
    %c0_i32_0 = arith.constant 0 : i32
    %c0_i32_1 = arith.constant 0 : i32
    return %c0_i32, %c0_i32_0 : i32, i32
  }
  func.func @transform_6(%arg0: i32) -> (i32, i32) {
    %c0_i32 = arith.constant 0 : i32
    %c0_i32_0 = arith.constant 0 : i32
    %c0_i32_1 = arith.constant 0 : i32
    return %c0_i32, %c0_i32_0 : i32, i32
  }
  func.func @transform_7(%arg0: i32) -> (i32, i32) {
    %c0_i32 = arith.constant 0 : i32
    %c0_i32_0 = arith.constant 0 : i32
    %c0_i32_1 = arith.constant 0 : i32
    return %c0_i32, %c0_i32_0 : i32, i32
  }
}

</mosaic_0001>

<sc_bundles>
// kernel: kernel.12.cloned.1.call-start
scs
__scs_entry_jumppad:
0x0: {  	(pc) =	sbr.rel $0x88, $3  }
0x1: {  	(tag) =	ssettag $0x0;
	lr =	simm.s32 $0x1  }
0x2: {  	[smem:$0x3F93] =	sst lr;
	_ =	strace $0xD0000000  }
0x3: {  	_ = 	snop  }
0x4: {  	_ = 	snop  }
0x5: {  	_ = 	snop  }
0x6: {  	_ = 	snop  }
0x7: {  	_ = 	snop  }
__scs_overlays_trampoline_lowered:
0x8: {  	[smem:$0x3FA2] =	sst s0  }
0x9: {  	[smem:$0x3FA3] =	sst s1  }
0xa: {  	[smem:$0x3FA4] =	sst s2  }
0xb: {  	[smem:$0x3FA5] =	sst s3  }
0xc: {  	[smem:$0x3FA6] =	sst s4  }
0xd: {  	[smem:$0x3FA7] =	sst s5  }
0xe: {  	[smem:$0x3FA8] =	sst s6  }
0xf: {  	[smem:$0x3FA9] =	sst s7  }
0x10: {  	[smem:$0x3FAA] =	sst s8  }
0x11: {  	[smem:$0x3FAB] =	sst s9;
	s0 =	simm.s32 @!p0 $0x0  }
0x12: {  	s1 =	sld [smem:$0x3F91];
	s0 =	simm.s32 @p0 $0x1  }
0x13: {  	[smem:$0x3FAC] =	sst s0;
	s0 =	simm.s32 @!p1 $0x0  }
0x14: {  	s2 =	sld [smem:$0x3F90];
	s0 =	simm.s32 @p1 $0x1  }
0x15: {  	[smem:$0x3FAD] =	sst s0;
	s0 =	simm.s32 @!p2 $0x0  }
0x16: {  	s3 =	sld [smem:$0x3FDB];
	s0 =	simm.s32 @p2 $0x1  }
0x17: {  	s4 =	simm.s32 $0x1BF5;
	[smem:$0x3FAF] =	sst s0  }
0x18: {  	s0 =	sld [smem:$0x3F92];
	_ =	swait.ge [sflag:s4], $0x0  }
0x19: {  	s7 =	sld [smem:$0x3F93]  }
0x1a: {  	s8 =	sadd.s32 $0xFFFFE003, lr  }
0x1b: {  	s9 =	sadd.s32 $0xFFFFFEF7, lr;
	s5 =	simm.s32 $0xFFFFFFFF;
	p2 =	slt.u32 s8, $0xFFFFF086  }
0x1c: {  	p1 =	slt.u32 s9, $0xF7A;
	s5 =	simm.s32 @!p2 $0x0  }
0x1d: {  	s5 =	simm.s32 @p1 $0x1;
	p0 =	seq.s32 s7, s2  }
0x1e: {  	s7 =	smul.u32 @!p0 $0xF7A, s2;
	p2 =	seq.s32 @!p0 s5, $0x0  }
0x1f: {  	s9 =	smul.u32 $0xF7A, s1;
	s8 =	simm.s32 @!p0 $0x1BF5;
	p2 =	por !p2, p0  }
0x20: {  	[sflag:s8] =	ssyncset.s32 @!p0 $0xFFFFF086;
	s6 =	sadd.s32 @!p0 s3, s7;
	s7 =	simm.s32 @!p0 $0x108  }
0x21: {  	s3 =	sadd.s32 s3, s9;
	s6 =	sadd.s32 @!p0 $0x88, s6;
	s7 =	simm.s32 @p2 $0x1082  }
0x22: {  	[simem:s7], [sflag:s8] =	dma.local @!p0 [hbm:s6], $0xF7A  }
0x23: {  	s9 =	sor.u32 $0xD0000000, s2;
	s6 =	simm.s32 $0x108;
	_ =	swait.ge @!p0 [sflag:s8], $0x0  }
0x24: {  	s3 =	sadd.s32 $0x88, s3;
	s6 =	simm.s32 @!p1 $0x1082;
	[sflag:s4] =	ssyncset.s32 $0xFFFFF086  }
0x25: {  	[simem:s6], [sflag:s4] =	dma.local [hbm:s3], $0xF7A  }
0x26: {  	[smem:$0x3F93] =	sst s1;
	(tag) =	ssettag s2;
	_ =	strace s9  }
0x27: {  	s1 =	sld [smem:$0x3FA3]  }
0x28: {  	s2 =	sld [smem:$0x3FA4]  }
0x29: {  	s4 =	sld [smem:$0x3FA6]  }
0x2a: {  	p0 =	seq.s32 s5, $0x0;
	s5 =	sld [smem:$0x3FA7]  }
0x2b: {  	s6 =	sld [smem:$0x3FA8]  }
0x2c: {  	s7 =	sld [smem:$0x3FA9]  }
0x2d: {  	s3 =	simm.s32 $0x108;
	s8 =	sld [smem:$0x3FAA]  }
0x2e: {  	s3 =	simm.s32 @!p0 $0x1082;
	s9 =	sld [smem:$0x3FAB]  }
0x2f: {  	lr =	sadd.s32 s0, s3;
	s0 =	sld [smem:$0x3FA2]  }
0x30: {  	s3 =	sld [smem:$0x3FA5]  }
0x31: {  	[smem:$0x3FAE] =	sst s10  }
0x32: {  	s10 =	sld [smem:$0x3FAC];
	_ =	sdelay $0x3  }
0x33: {  	p0 =	seq.s32 s10, $0x1;
	s10 =	sld [smem:$0x3FAE];
	_ =	sdelay $0x3  }
0x34: {  	[smem:$0x3FAE] =	sst s10  }
0x35: {  	s10 =	sld [smem:$0x3FAD];
	_ =	sdelay $0x3  }
0x36: {  	p1 =	seq.s32 s10, $0x1;
	s10 =	sld [smem:$0x3FAE];
	_ =	sdelay $0x3  }
0x37: {  	[smem:$0x3FAE] =	sst s10  }
0x38: {  	s10 =	sld [smem:$0x3FAF]  }
0x39: {  	_ = 	snop;
	(pc) =	sbr.ind lr, $3  }
0x3a: {  	_ = 	snop  }
0x3b: {  	_ = 	snop  }
0x3c: {  	p2 =	seq.s32 s10, $0x1;
	s10 =	sld [smem:$0x3FAE]  }
0x3d: {  	_ =	shalt  }
0x3e: {  	_ =	shalt  }
0x3f: {  	_ =	shalt  }
0x40: {  	_ =	shalt  }
0x41: {  	_ =	shalt  }
0x42: {  	_ =	shalt  }
0x43: {  	_ =	shalt  }
0x44: {  	_ =	shalt  }
0x45: {  	_ =	shalt  }
0x46: {  	_ =	shalt  }
0x47: {  	_ =	shalt  }
0x48: {  	_ =	shalt  }
0x49: {  	_ =	shalt  }
0x4a: {  	_ =	shalt  }
0x4b: {  	_ =	shalt  }
0x4c: {  	_ =	shalt  }
0x4d: {  	_ =	shalt  }
0x4e: {  	_ =	shalt  }
0x4f: {  	_ =	shalt  }
0x50: {  	_ =	shalt  }
0x51: {  	_ =	shalt  }
0x52: {  	_ =	shalt  }
0x53: {  	_ =	shalt  }
0x54: {  	_ =	shalt  }
0x55: {  	_ =	shalt  }
0x56: {  	_ =	shalt  }
0x57: {  	_ =	shalt  }
0x58: {  	_ =	shalt  }
0x59: {  	_ =	shalt  }
0x5a: {  	_ =	shalt  }
0x5b: {  	_ =	shalt  }
0x5c: {  	_ =	shalt  }
0x5d: {  	_ =	shalt  }
0x5e: {  	_ =	shalt  }
0x5f: {  	_ =	shalt  }
0x60: {  	_ =	shalt  }
0x61: {  	_ =	shalt  }
0x62: {  	_ =	shalt  }
0x63: {  	_ =	shalt  }
0x64: {  	_ =	shalt  }
0x65: {  	_ =	shalt  }
0x66: {  	_ =	shalt  }
0x67: {  	_ =	shalt  }
0x68: {  	_ =	shalt  }
0x69: {  	_ =	shalt  }
0x6a: {  	_ =	shalt  }
0x6b: {  	_ =	shalt  }
0x6c: {  	_ =	shalt  }
0x6d: {  	_ =	shalt  }
0x6e: {  	_ =	shalt  }
0x6f: {  	_ =	shalt  }
0x70: {  	_ =	shalt  }
0x71: {  	_ =	shalt  }
0x72: {  	_ =	shalt  }
0x73: {  	_ =	shalt  }
0x74: {  	_ =	shalt  }
0x75: {  	_ =	shalt  }
0x76: {  	_ =	shalt  }
0x77: {  	_ =	shalt  }
0x78: {  	_ =	shalt  }
0x79: {  	_ =	shalt  }
0x7a: {  	_ =	shalt  }
0x7b: {  	_ =	shalt  }
0x7c: {  	_ =	shalt  }
0x7d: {  	_ =	shalt  }
0x7e: {  	_ =	shalt  }
0x7f: {  	_ =	shalt  }
0x80: {  	_ =	shalt  }
0x81: {  	_ =	shalt  }
0x82: {  	_ =	shalt  }
0x83: {  	_ =	shalt  }
0x84: {  	_ =	shalt  }
0x85: {  	_ =	shalt  }
0x86: {  	_ =	shalt  }
0x87: {  	_ =	shalt  }
.Lfunc_end0:
.L_simem_size_0:
called_computation.1_lowered:
.L_overlay_start_0:
0x88: {  	s2 =	sld [smem:$0x3FD9]  }
0x89: {  	s3 =	sld [smem:$0x3FFE];
	_ =	sdelay $0x1  }
0x8a: {  	s1 =	srdreg.scid  }
0x8b: {  	s0 =	sand.u32 $0x1, s1  }
0x8c: {  	s14 =	sshll.u32 s0, $0xA;
	s2 =	sadd.s32 s3, s2  }
0x8d: {  	s2 =	sadd.s32 s2, s14  }
0x8e: {  	[smem:$0x3FBA] =	sst s2  }
0x8f: {  	_ = 	snop  }
0x90: {  	s2 =	sld [smem:$0x3FD0];
	_ =	sdelay $0x2  }
0x91: {  	s15 =	simm.s32 $0xA;
	s4 =	simm.s32 $0x10  }
0x92: {  	[smem:s4], [sflag:s15] =	dma.local [hbm:s2], $0x1  }
0x93: {  	_ =	swait.eq [sflag:s15], $0x1  }
0x94: {  	[sflag:s15] =	ssyncset.done $0x0  }
0x95: {  	[sflag:s15] =	ssyncadd.s32 $0xFFFFFFFF  }
0x96: {  	s16 =	sld [smem:$0x11];
	(tm) =	ssettm $0x1  }
0x97: {  	s17 =	sld [smem:$0x3FFB];
	_ =	sdelay $0x3  }
0x98: {  	_ =	strace s17  }
0x99: {  	s3 =	sld [smem:$0x3FFC];
	_ =	sdelay $0x3  }
0x9a: {  	_ =	strace s3  }
0x9b: {  	s3 =	sld [smem:$0x3FFD];
	_ =	sdelay $0x3  }
0x9c: {  	_ =	strace s3  }
0x9d: {  	_ =	strace $0x8FFFFFFF  }
0x9e: {  	s18 =	sld [smem:$0x3FDB];
	_ =	sdelay $0x1  }
0x9f: {  	s19 =	simm.s32 $_scs_section_size  }
0xa0: {  	s5 =	simm.s32 $_size__tile_overlayer_lowered;
	s6 =	simm.s32 $_tile_overlayer_lowered  }
0xa1: {  	s22 =	simm.s32 $0x1BFF;
	s21 =	sshll.u32 s6, $0x1;
	s3 =	sadd.s32 s19, s18  }
0xa2: {  	s7 =	simm.s32 $0x0;
	s20 =	sshll.u32 s5, $0x1;
	s5 =	sadd.s32 s21, s3  }
0xa3: {  	[timem:s7], [sflag:s22] =	dma.local [hbm:s5], s20  }
0xa4: {  	_ =	swait.ge [sflag:s22], s20  }
0xa5: {  	s4 =	ssub.s32 $0x0, s20;
	[sflag:s22] =	ssyncset.done $0x0  }
0xa6: {  	[sflag:s22] =	ssyncadd.s32 s4;
	_ =	sdelay $0x1  }
0xa7: {  	s23 =	simm.s32 $0x1B8B  }
0xa8: {  	_ =	swait.ge [sflag:s23], $0x1  }
0xa9: {  	[sflag:s23] =	ssyncset.done $0x0  }
0xaa: {  	s25 =	simm.s32 $0x1B8E;
	s24 =	sld [smem:$0x3FFE];
	[sflag:s23] =	ssyncadd.s32 $0xFFFFFFFF  }
0xab: {  	s26 =	simm.s32 $execute0_lowered;
	[smem:$0x3FD2] =	sst s25  }
0xac: {  	s5 =	sshll.u32 s26, $0x1;
	_ =	strace $0x80000049;
	[dreg:$0x1] =	wrdreg $0xFFFFFFFF  }
0xad: {  	s28 =	simm.s32 $_size_execute0_lowered;
	s3 =	sadd.s32 s3, s5;
	[dreg:$0x0] =	wrdreg $0x0  }
0xae: {  	s5 =	sshll.u32 s28, $0x1;
	[dreg:$0x2] =	wrdreg s3  }
0xaf: {  	[dreg:$0x3] =	wrdreg s5  }
0xb0: {  	[dreg:$0x4] =	wrdreg $0xC0  }
0xb1: {  	_ =	task [dreg:s7], $0x5FFFF  }
0xb2: {  	[dreg:$0x1] =	wrdreg $0xFFFFFFFF  }
0xb3: {  	[dreg:$0x0] =	wrdreg $0x60  }
0xb4: {  	[dreg:$0x2] =	wrdreg s24  }
0xb5: {  	[dreg:$0x3] =	wrdreg s16  }
0xb6: {  	[dreg:$0x4] =	wrdreg $0x0  }
0xb7: {  	[dreg:$0x5] =	wrdreg $0x9  }
0xb8: {  	_ =	task.clear_ibuf [dreg:s7], $0x6FFFF;
	_ =	strace $0x90000049  }
0xb9: {  	s29 =	simm.s32 $0x9;
	_ =	strace $0x8000004B  }
0xba: {  	_ =	swait.ge [sflag:s29], $0x1  }
0xbb: {  	[sflag:s29] =	ssyncadd.s32 $0xFFFFFFFF  }
0xbc: {  	_ =	strace $0x9000004B  }
0xbd: {  	_ =	sfence  }
0xbe: {  	s30 =	sld [smem:$0x0];
	_ =	sdelay $0x2  }
0xbf: {  	s31 =	sshll.u32 s1, $0xD;
	s1 =	sshrl.u32 s1, $0x2  }
0xc0: {  	s3 =	sand.u32 $0x4000, s31;
	s1 =	sadd.s32 s1, s30  }
0xc1: {  	s0 =	sor.u32 s3, s0;
	s1 =	sshll.u32 s1, $0x11  }
0xc2: {  	s0 =	sor.u32 s1, s0  }
0xc3: {  	s0 =	sadd.s32 $0x8F2B, s0  }
0xc4: {  	[sflag:s0] =	ssyncadd.remote.s32 $0x1  }
0xc5: {  	_ =	sfence.sel $0xFFFF  }
0xc6: {  	[dreg:$0x0] =	wrdreg $0xFFFFFFFF;
	(pc) =	sbr.abs _section_cstart, $3  }
0xc7: {  	[dreg:$0x1] =	wrdreg $0xFFFFFFFF  }
0xc8: {  	_ =	task.clear_ibuf [dreg:s7], $0x2FFFF;
	_ =	strace $0x9FFFFFFF  }
0xc9: {  	(tm) =	ssettm $0x7FFFFFFF  }
tec
execute0_lowered:
.L_overlay_start_1:
0x0: {  	(tag) =	ssettag $0x1  }
0x1: {  	s9 =	rddreg [dreg:$0x0]  }
0x2: {  	s1 =	rddreg [dreg:$0x1]  }
0x3: {  	s2 =	rddreg [dreg:$0x2]  }
0x4: {  	s0 =	rddreg [dreg:$0x3];
	s4 =	simm.s32 $0x0  }
0x5: {  	s5 =	srdreg.scid;
	s3 =	stileid.u32;
	s15 =	simm.s32 $0x14000  }
0x6: {  	s16 =	simm.s32 $0x14080;
	s17 =	simm.s32 $0x50;
	s18 =	simm.s32 $0x14100  }
0x7: {  	s19 =	simm.s32 $0x14200;
	s20 =	simm.s32 $0x14180;
	s22 =	simm.s32 $0x1  }
0x8: {  	s23 =	simm.s32 $0x2;
	[smem:$0x7FF] =	sst s4;
	s11 =	smul.u32 $0x2800, s3  }
0x9: {  	s10 =	sand.u32 $0x1, s5;
	s5 =	sadd.s32 $0x16A00, s9;
	s14 =	smul.u32 $0x50000, s3  }
0xa: {  	s6 =	sadd.s32 $0xCC00, s9;
	s7 =	sadd.s32 $0x2E00, s9;
	s12 =	smul.u32 $0x28000, s10  }
0xb: {  	s8 =	sadd.s32 $0xB2E00, s9;
	s31 =	sshll.u32 s3, $0x6;
	s21 =	smul.u32 $0x2710, s10  }
0xc: {  	_ =	strace $0x8000004A;
	s13 =	ssub.s32 $0x2, s10;
	s10 =	smul.u32 $0x4E20, s3  }
0xd: {  	s28 =	sshrl.u32 s13, $0x1;
	s29 =	sshrl.u32 s14, $0x2;
	s14 =	simm.s32 $0x3  }
0xe: {  	s11 =	sadd.s32 s11, s12;
	s12 =	ssub.s32 s13, s28;
	s30 =	sadd.s32 s29, s2  }
0xf: {  	v0 =	vmov s21;
	s21 =	simm.s32 $0x16A00;
	s11 =	sadd.s32 s11, s9;
	s9 =	sor.u32 $0x1C03, s31  }
0x10: {  	s12 =	smax.u32 s12, $0x1;
	s13 =	sshrl.u32 s30, $0x3;
	s11 =	sadd.s32 $0xB5600, s11  }
.LBB2_1:
0x11: {  	[spmem:s13], [sflag:s9] =	dma.local [hbm:s8], $0x2800  }
0x12: {  	_ =	swait.ge [sflag:s14], $0x2800  }
0x13: {  	[sflag:s14] =	ssyncset.done $0x0  }
0x14: {  	[sflag:s14] =	ssyncadd.s32 $0xFFFFD800  }
0x15: {  	s24 =	simm.s32 $0x0;
	[bflag:$0x0] =	sbarrier.arrive $0xFFFF  }
.LBB2_2:
0x16: {  	s25 =	smul.u32 $0x50, s24;
	_ =	sdelay $0x1  }
0x17: {  	s25 =	sadd.s32 s10, s25  }
0x18: {  	s25 =	sshrl.u32 s25, $0x3  }
0x19: {  	s28 =	simm.s32 $0x0;
	s26 =	sadd.s32 s6, s25  }
0x1a: {  	[tilespmem:s15], [sflag:$0x3] =	stream.linear.gather [hbm4b:s26+s28], $0x50, $0x38;
	[tilespmem:$0x19200] =	vst v63  }
0x1b: {  	_ =	swait.ge [sflag:s14], $0x50  }
0x1c: {  	[sflag:s14] =	ssyncset.done $0x0  }
0x1d: {  	s25 =	sadd.s32 s7, s25;
	[sflag:s14] =	ssyncadd.s32 $0xFFFFFFB0  }
0x1e: {  	[tilespmem:s16], [sflag:$0x3] =	stream.linear.gather [hbm4b:s25+s28], $0x50, $0x38;
	[tilespmem:$0x19200] =	vst v63  }
0x1f: {  	_ =	swait.ge [sflag:s14], $0x50  }
0x20: {  	[sflag:s14] =	ssyncset.done $0x0  }
0x21: {  	[sflag:s14] =	ssyncadd.s32 $0xFFFFFFB0  }
0x22: {  	v1 =	vld [tilespmem:$0x14000]  }
0x23: {  	v2 =	vld [tilespmem:$0x14080]  }
0x24: {  	v3 =	vld [tilespmem:$0x14010]  }
0x25: {  	v4 =	vld [tilespmem:$0x14090]  }
0x26: {  	v5 =	vld [tilespmem:$0x14020]  }
0x27: {  	v6 =	vld [tilespmem:$0x140A0];
	v1 =	vadd.s32 v0, v1  }
0x28: {  	[tilespmem:$0x14100] =	vst v1;
	v1 =	vadd.s32 v0, v2;
	v2 =	vld [tilespmem:$0x14030]  }
0x29: {  	[tilespmem:$0x14180] =	vst v1;
	v1 =	vadd.s32 v0, v3;
	v3 =	vld [tilespmem:$0x140B0]  }
0x2a: {  	[tilespmem:$0x14110] =	vst v1;
	v1 =	vadd.s32 v0, v4;
	v4 =	vld [tilespmem:$0x14040]  }
0x2b: {  	[tilespmem:$0x14190] =	vst v1;
	v1 =	vadd.s32 v0, v5;
	v5 =	vld [tilespmem:$0x140C0]  }
0x2c: {  	[tilespmem:$0x14120] =	vst v1;
	v1 =	vadd.s32 v0, v6  }
0x2d: {  	[tilespmem:$0x141A0] =	vst v1;
	v1 =	vadd.s32 v0, v2  }
0x2e: {  	[tilespmem:$0x14130] =	vst v1;
	v1 =	vadd.s32 v0, v3  }
0x2f: {  	[tilespmem:$0x141B0] =	vst v1;
	v1 =	vadd.s32 v0, v4  }
0x30: {  	[tilespmem:$0x14140] =	vst v1;
	v1 =	vadd.s32 v0, v5  }
0x31: {  	[tilespmem:$0x141C0] =	vst v1  }
0x32: {  	[tilespmem:s19], [sflag:$0x1] =	stream.indirect.gather [hbm4b:s5+s17], $0x80, s18, s17, $0xb8;
	[tilespmem:$0x19200] =	vst v63  }
0x33: {  	_ = 	snop  }
0x34: {  	[tilespmem:s21], [sflag:$0x2] =	stream.indirect.gather [hbm4b:s1+s17], $0x80, s20, s17, $0xb8;
	[tilespmem:$0x19200] =	vst v63  }
0x35: {  	_ =	swait.ge [sflag:s22], $0x2800  }
0x36: {  	[sflag:s22] =	ssyncset.done $0x0  }
0x37: {  	[sflag:s22] =	ssyncadd.s32 $0xFFFFD800  }
0x38: {  	_ =	swait.ge [sflag:s23], $0x2800  }
0x39: {  	[sflag:s23] =	ssyncset.done $0x0  }
0x3a: {  	s25 =	simm.s32 $0x0;
	[sflag:s23] =	ssyncadd.s32 $0xFFFFD800  }
0x3b: {  	v7 =	vld [tilespmem:s25+$0x16A00]  }
0x3c: {  	v12 =	vld [tilespmem:s25+$0x16A10]  }
0x3d: {  	v6 =	vld [tilespmem:s25+$0x16A20]  }
0x3e: {  	v5 =	vld [tilespmem:s25+$0x16A30]  }
0x3f: {  	v4 =	vld [tilespmem:s25+$0x16A40]  }
0x40: {  	v3 =	vld [tilespmem:s25+$0x16A50]  }
0x41: {  	v2 =	vld [tilespmem:s25+$0x16A60]  }
0x42: {  	v1 =	vld [tilespmem:s25+$0x16A70]  }
0x43: {  	v13 =	vld [tilespmem:s25+$0x14200]  }
0x44: {  	v14 =	vld [tilespmem:s25+$0x14210]  }
0x45: {  	v11 =	vld [tilespmem:s25+$0x14220]  }
0x46: {  	v10 =	vld [tilespmem:s25+$0x14230]  }
0x47: {  	v9 =	vld [tilespmem:s25+$0x14240]  }
0x48: {  	v8 =	vld [tilespmem:s25+$0x14250];
	v13 =	vadd.f32 v7, v13  }
0x49: {  	s26 =	simm.s32 $0x200;
	v12 =	vadd.f32 v12, v14;
	v7 =	vld [tilespmem:s25+$0x14260]  }
.LBB2_3:
0x4a: {  	s28 =	sshra.s32 s26, $0x2;
	p0 =	sne.s32 s26, $0x9E00;
	v13 =	vmax.f32 v13, $0.0e+00;
	v6 =	vadd.f32 v6, v11;
	v11 =	vld [tilespmem:s25+$0x14270]  }
0x4b: {  	v14 =	vld [tilespmem:s28+$0x16A00];
	[tilespmem:s25+$0x14200] =	vst v13;
	v12 =	vmax.f32 v12, $0.0e+00;
	v5 =	vadd.f32 v5, v10  }
0x4c: {  	v15 =	vld [tilespmem:s28+$0x16A10];
	[tilespmem:s25+$0x14210] =	vst v12;
	v10 =	vmax.f32 v6, $0.0e+00;
	v4 =	vadd.f32 v4, v9  }
0x4d: {  	v6 =	vld [tilespmem:s28+$0x16A20];
	[tilespmem:s25+$0x14220] =	vst v10;
	v9 =	vmax.f32 v5, $0.0e+00;
	v3 =	vadd.f32 v3, v8  }
0x4e: {  	v5 =	vld [tilespmem:s28+$0x16A30];
	[tilespmem:s25+$0x14230] =	vst v9;
	v8 =	vmax.f32 v4, $0.0e+00;
	v2 =	vadd.f32 v2, v7  }
0x4f: {  	v4 =	vld [tilespmem:s28+$0x16A40];
	[tilespmem:s25+$0x14240] =	vst v8;
	v7 =	vmax.f32 v3, $0.0e+00;
	v1 =	vadd.f32 v1, v11  }
0x50: {  	v3 =	vld [tilespmem:s28+$0x16A50];
	[tilespmem:s25+$0x14250] =	vst v7;
	v7 =	vmax.f32 v2, $0.0e+00  }
0x51: {  	v2 =	vld [tilespmem:s28+$0x16A60];
	[tilespmem:s25+$0x14260] =	vst v7;
	v7 =	vmax.f32 v1, $0.0e+00  }
0x52: {  	v1 =	vld [tilespmem:s28+$0x16A70];
	[tilespmem:s25+$0x14270] =	vst v7;
	s25 =	smov.u32 s28  }
0x53: {  	v7 =	vld [tilespmem:s25+$0x14200]  }
0x54: {  	v12 =	vld [tilespmem:s25+$0x14210]  }
.Ltmp0:
0x55: {  	v11 =	vld [tilespmem:s25+$0x14220];
	(pc) =	sbr.rel @p0 .LBB2_3-.Ltmp0, $4  }
0x56: {  	v10 =	vld [tilespmem:s25+$0x14230]  }
0x57: {  	v9 =	vld [tilespmem:s25+$0x14240]  }
0x58: {  	v13 =	vadd.f32 v14, v7;
	v8 =	vld [tilespmem:s25+$0x14250]  }
0x59: {  	s26 =	sadd.s32 $0x200, s26;
	v12 =	vadd.f32 v15, v12;
	v7 =	vld [tilespmem:s25+$0x14260]  }
0x5a: {  	v13 =	vmax.f32 v13, $0.0e+00;
	v6 =	vadd.f32 v6, v11;
	v63 =	vld [tilespmem:s25+$0x14270]  }
0x5b: {  	[tilespmem:s25+$0x14200] =	vst v13;
	v12 =	vmax.f32 v12, $0.0e+00;
	v5 =	vadd.f32 v5, v10  }
0x5c: {  	[tilespmem:s25+$0x14210] =	vst v12;
	v6 =	vmax.f32 v6, $0.0e+00;
	v4 =	vadd.f32 v4, v9  }
0x5d: {  	[tilespmem:s25+$0x14220] =	vst v6;
	v5 =	vmax.f32 v5, $0.0e+00;
	v3 =	vadd.f32 v3, v8  }
0x5e: {  	[tilespmem:s25+$0x14230] =	vst v5;
	v4 =	vmax.f32 v4, $0.0e+00;
	v2 =	vadd.f32 v2, v7  }
0x5f: {  	[tilespmem:s25+$0x14240] =	vst v4;
	v3 =	vmax.f32 v3, $0.0e+00;
	v1 =	vadd.f32 v1, v63  }
0x60: {  	s24 =	sadd.s32 $0x1, s24;
	[tilespmem:s25+$0x14250] =	vst v3;
	v2 =	vmax.f32 v2, $0.0e+00  }
0x61: {  	p0 =	sne.s32 s24, $0xFA;
	[tilespmem:s25+$0x14260] =	vst v2;
	v1 =	vmax.f32 v1, $0.0e+00  }
.Ltmp1:
0x62: {  	[tilespmem:s25+$0x14270] =	vst v1;
	(pc) =	sbr.rel @p0 .LBB2_2-.Ltmp1, $4  }
0x63: {  	[spmem:s2] =	stream.indirect.scatter.add.f32 [tilespmem:s19], [sflag:$0x3], $0x80, s16, s17, $0xb8;
	[tilespmem:$0x19200] =	vst v63  }
0x64: {  	_ =	swait.ge [sflag:s14], $0x2800  }
0x65: {  	[sflag:s14] =	ssyncset.done $0x0  }
0x66: {  	[sflag:s14] =	ssyncadd.s32 $0xFFFFD800  }
0x67: {  	s4 =	sadd.s32 $0x1, s4  }
0x68: {  	p0 =	sne.s32 s4, s12  }
.Ltmp2:
0x69: {  	[bflag:$0x0] =	sbarrier.arrive $0xFFFF;
	(pc) =	sbr.rel @p0 .LBB2_1-.Ltmp2, $4  }
0x6a: {  	[hbm:s11], [sflag:s9] =	dma.local [spmem:s13], $0x2800  }
0x6b: {  	_ =	swait.ge [sflag:s14], $0x2800  }
0x6c: {  	[sflag:s14] =	ssyncset.done $0x0  }
0x6d: {  	[sflag:s14] =	ssyncadd.s32 $0xFFFFD800  }
0x6e: {  	_ =	sfence.sel $0x180000  }
0x6f: {  	[bflag:$0x0] =	sbarrier.arrive $0xFFFF  }
0x70: {  	p0 =	sne.s32 s3, $0x0;
	_ =	strace $0x9000004A  }
0x71: {  	s0 =	sadd.s32 @!p0 $0x100000, s0;
	[bflag:$0x2] =	sbarrier.arrive $0xFFFF  }
0x72: {  	[sflag:s0] =	ssyncadd.tile.s32 @!p0 $0x1;
	_ =	shalt  }
.Lfunc_end2:
_tile_overlayer_lowered:
.L_overlay_start_2:
0x73: {  	(tag) =	ssettag $0x2  }
0x74: {  	s0 =	rddreg [dreg:$0x0];
	s2 =	stileid.u32  }
0x75: {  	s1 =	rddreg [dreg:$0x1];
	p0 =	sne.s32 s2, $0x0  }
0x76: {  	s3 =	rddreg [dreg:$0x2];
	[bflag:$0x3] =	sbarrier.arrive $0xFFFF;
	s2 =	simm.s32 @!p0 $0x1C03  }
0x77: {  	[timem:s3], [sflag:s2] =	dma.local @!p0 [hbm:s0], s1  }
0x78: {  	s0 =	simm.s32 @!p0 $0x3  }
0x79: {  	_ =	swait.ge @!p0 [sflag:s0], s1  }
0x7a: {  	s1 =	ssub.s32 @!p0 $0x0, s1;
	[sflag:s0] =	ssyncset.done @!p0 $0x0  }
0x7b: {  	[sflag:s0] =	ssyncadd.s32 @!p0 s1  }
0x7c: {  	[bflag:$0x3] =	sbarrier.arrive $0xFFFF  }
0x7d: {  	_ =	shalt  }

// kernel: kernel.15.cloned.1.call-start
scs
__scs_entry_jumppad:
0x0: {  	(pc) =	sbr.rel $0x88, $3  }
0x1: {  	(tag) =	ssettag $0x0;
	lr =	simm.s32 $0x1  }
0x2: {  	[smem:$0x3F93] =	sst lr;
	_ =	strace $0xD0000000  }
0x3: {  	_ = 	snop  }
0x4: {  	_ = 	snop  }
0x5: {  	_ = 	snop  }
0x6: {  	_ = 	snop  }
0x7: {  	_ = 	snop  }
__scs_overlays_trampoline_lowered:
0x8: {  	[smem:$0x3FA2] =	sst s0  }
0x9: {  	[smem:$0x3FA3] =	sst s1  }
0xa: {  	[smem:$0x3FA4] =	sst s2  }
0xb: {  	[smem:$0x3FA5] =	sst s3  }
0xc: {  	[smem:$0x3FA6] =	sst s4  }
0xd: {  	[smem:$0x3FA7] =	sst s5  }
0xe: {  	[smem:$0x3FA8] =	sst s6  }
0xf: {  	[smem:$0x3FA9] =	sst s7  }
0x10: {  	[smem:$0x3FAA] =	sst s8  }
0x11: {  	[smem:$0x3FAB] =	sst s9;
	s0 =	simm.s32 @!p0 $0x0  }
0x12: {  	s1 =	sld [smem:$0x3F91];
	s0 =	simm.s32 @p0 $0x1  }
0x13: {  	[smem:$0x3FAC] =	sst s0;
	s0 =	simm.s32 @!p1 $0x0  }
0x14: {  	s2 =	sld [smem:$0x3F90];
	s0 =	simm.s32 @p1 $0x1  }
0x15: {  	[smem:$0x3FAD] =	sst s0;
	s0 =	simm.s32 @!p2 $0x0  }
0x16: {  	s3 =	sld [smem:$0x3FDB];
	s0 =	simm.s32 @p2 $0x1  }
0x17: {  	s4 =	simm.s32 $0x1BF5;
	[smem:$0x3FAF] =	sst s0  }
0x18: {  	s0 =	sld [smem:$0x3F92];
	_ =	swait.ge [sflag:s4], $0x0  }
0x19: {  	s7 =	sld [smem:$0x3F93]  }
0x1a: {  	s8 =	sadd.s32 $0xFFFFE003, lr  }
0x1b: {  	s9 =	sadd.s32 $0xFFFFFEF7, lr;
	s5 =	simm.s32 $0xFFFFFFFF;
	p2 =	slt.u32 s8, $0xFFFFF086  }
0x1c: {  	p1 =	slt.u32 s9, $0xF7A;
	s5 =	simm.s32 @!p2 $0x0  }
0x1d: {  	s5 =	simm.s32 @p1 $0x1;
	p0 =	seq.s32 s7, s2  }
0x1e: {  	s7 =	smul.u32 @!p0 $0xF7A, s2;
	p2 =	seq.s32 @!p0 s5, $0x0  }
0x1f: {  	s9 =	smul.u32 $0xF7A, s1;
	s8 =	simm.s32 @!p0 $0x1BF5;
	p2 =	por !p2, p0  }
0x20: {  	[sflag:s8] =	ssyncset.s32 @!p0 $0xFFFFF086;
	s6 =	sadd.s32 @!p0 s3, s7;
	s7 =	simm.s32 @!p0 $0x108  }
0x21: {  	s3 =	sadd.s32 s3, s9;
	s6 =	sadd.s32 @!p0 $0x88, s6;
	s7 =	simm.s32 @p2 $0x1082  }
0x22: {  	[simem:s7], [sflag:s8] =	dma.local @!p0 [hbm:s6], $0xF7A  }
0x23: {  	s9 =	sor.u32 $0xD0000000, s2;
	s6 =	simm.s32 $0x108;
	_ =	swait.ge @!p0 [sflag:s8], $0x0  }
0x24: {  	s3 =	sadd.s32 $0x88, s3;
	s6 =	simm.s32 @!p1 $0x1082;
	[sflag:s4] =	ssyncset.s32 $0xFFFFF086  }
0x25: {  	[simem:s6], [sflag:s4] =	dma.local [hbm:s3], $0xF7A  }
0x26: {  	[smem:$0x3F93] =	sst s1;
	(tag) =	ssettag s2;
	_ =	strace s9  }
0x27: {  	s1 =	sld [smem:$0x3FA3]  }
0x28: {  	s2 =	sld [smem:$0x3FA4]  }
0x29: {  	s4 =	sld [smem:$0x3FA6]  }
0x2a: {  	p0 =	seq.s32 s5, $0x0;
	s5 =	sld [smem:$0x3FA7]  }
0x2b: {  	s6 =	sld [smem:$0x3FA8]  }
0x2c: {  	s7 =	sld [smem:$0x3FA9]  }
0x2d: {  	s3 =	simm.s32 $0x108;
	s8 =	sld [smem:$0x3FAA]  }
0x2e: {  	s3 =	simm.s32 @!p0 $0x1082;
	s9 =	sld [smem:$0x3FAB]  }
0x2f: {  	lr =	sadd.s32 s0, s3;
	s0 =	sld [smem:$0x3FA2]  }
0x30: {  	s3 =	sld [smem:$0x3FA5]  }
0x31: {  	[smem:$0x3FAE] =	sst s10  }
0x32: {  	s10 =	sld [smem:$0x3FAC];
	_ =	sdelay $0x3  }
0x33: {  	p0 =	seq.s32 s10, $0x1;
	s10 =	sld [smem:$0x3FAE];
	_ =	sdelay $0x3  }
0x34: {  	[smem:$0x3FAE] =	sst s10  }
0x35: {  	s10 =	sld [smem:$0x3FAD];
	_ =	sdelay $0x3  }
0x36: {  	p1 =	seq.s32 s10, $0x1;
	s10 =	sld [smem:$0x3FAE];
	_ =	sdelay $0x3  }
0x37: {  	[smem:$0x3FAE] =	sst s10  }
0x38: {  	s10 =	sld [smem:$0x3FAF]  }
0x39: {  	_ = 	snop;
	(pc) =	sbr.ind lr, $3  }
0x3a: {  	_ = 	snop  }
0x3b: {  	_ = 	snop  }
0x3c: {  	p2 =	seq.s32 s10, $0x1;
	s10 =	sld [smem:$0x3FAE]  }
0x3d: {  	_ =	shalt  }
0x3e: {  	_ =	shalt  }
0x3f: {  	_ =	shalt  }
0x40: {  	_ =	shalt  }
0x41: {  	_ =	shalt  }
0x42: {  	_ =	shalt  }
0x43: {  	_ =	shalt  }
0x44: {  	_ =	shalt  }
0x45: {  	_ =	shalt  }
0x46: {  	_ =	shalt  }
0x47: {  	_ =	shalt  }
0x48: {  	_ =	shalt  }
0x49: {  	_ =	shalt  }
0x4a: {  	_ =	shalt  }
0x4b: {  	_ =	shalt  }
0x4c: {  	_ =	shalt  }
0x4d: {  	_ =	shalt  }
0x4e: {  	_ =	shalt  }
0x4f: {  	_ =	shalt  }
0x50: {  	_ =	shalt  }
0x51: {  	_ =	shalt  }
0x52: {  	_ =	shalt  }
0x53: {  	_ =	shalt  }
0x54: {  	_ =	shalt  }
0x55: {  	_ =	shalt  }
0x56: {  	_ =	shalt  }
0x57: {  	_ =	shalt  }
0x58: {  	_ =	shalt  }
0x59: {  	_ =	shalt  }
0x5a: {  	_ =	shalt  }
0x5b: {  	_ =	shalt  }
0x5c: {  	_ =	shalt  }
0x5d: {  	_ =	shalt  }
0x5e: {  	_ =	shalt  }
0x5f: {  	_ =	shalt  }
0x60: {  	_ =	shalt  }
0x61: {  	_ =	shalt  }
0x62: {  	_ =	shalt  }
0x63: {  	_ =	shalt  }
0x64: {  	_ =	shalt  }
0x65: {  	_ =	shalt  }
0x66: {  	_ =	shalt  }
0x67: {  	_ =	shalt  }
0x68: {  	_ =	shalt  }
0x69: {  	_ =	shalt  }
0x6a: {  	_ =	shalt  }
0x6b: {  	_ =	shalt  }
0x6c: {  	_ =	shalt  }
0x6d: {  	_ =	shalt  }
0x6e: {  	_ =	shalt  }
0x6f: {  	_ =	shalt  }
0x70: {  	_ =	shalt  }
0x71: {  	_ =	shalt  }
0x72: {  	_ =	shalt  }
0x73: {  	_ =	shalt  }
0x74: {  	_ =	shalt  }
0x75: {  	_ =	shalt  }
0x76: {  	_ =	shalt  }
0x77: {  	_ =	shalt  }
0x78: {  	_ =	shalt  }
0x79: {  	_ =	shalt  }
0x7a: {  	_ =	shalt  }
0x7b: {  	_ =	shalt  }
0x7c: {  	_ =	shalt  }
0x7d: {  	_ =	shalt  }
0x7e: {  	_ =	shalt  }
0x7f: {  	_ =	shalt  }
0x80: {  	_ =	shalt  }
0x81: {  	_ =	shalt  }
0x82: {  	_ =	shalt  }
0x83: {  	_ =	shalt  }
0x84: {  	_ =	shalt  }
0x85: {  	_ =	shalt  }
0x86: {  	_ =	shalt  }
0x87: {  	_ =	shalt  }
.Lfunc_end0:
.L_simem_size_0:
called_computation.2_lowered:
.L_overlay_start_0:
0x88: {  	s2 =	sld [smem:$0x3FD9]  }
0x89: {  	s3 =	sld [smem:$0x3FFE];
	_ =	sdelay $0x1  }
0x8a: {  	s1 =	srdreg.scid  }
0x8b: {  	s0 =	sand.u32 $0x1, s1  }
0x8c: {  	s14 =	sshll.u32 s0, $0xA;
	s2 =	sadd.s32 s3, s2  }
0x8d: {  	s2 =	sadd.s32 s2, s14  }
0x8e: {  	[smem:$0x3FBA] =	sst s2  }
0x8f: {  	_ = 	snop  }
0x90: {  	s2 =	sld [smem:$0x3FD0];
	_ =	sdelay $0x2  }
0x91: {  	s15 =	simm.s32 $0xA;
	s4 =	simm.s32 $0x10  }
0x92: {  	[smem:s4], [sflag:s15] =	dma.local [hbm:s2], $0x1  }
0x93: {  	_ =	swait.eq [sflag:s15], $0x1  }
0x94: {  	[sflag:s15] =	ssyncset.done $0x0  }
0x95: {  	[sflag:s15] =	ssyncadd.s32 $0xFFFFFFFF  }
0x96: {  	s16 =	sld [smem:$0x11];
	(tm) =	ssettm $0x1  }
0x97: {  	s17 =	sld [smem:$0x3FFB];
	_ =	sdelay $0x3  }
0x98: {  	_ =	strace s17  }
0x99: {  	s3 =	sld [smem:$0x3FFC];
	_ =	sdelay $0x3  }
0x9a: {  	_ =	strace s3  }
0x9b: {  	s3 =	sld [smem:$0x3FFD];
	_ =	sdelay $0x3  }
0x9c: {  	_ =	strace s3  }
0x9d: {  	_ =	strace $0x8FFFFFFF  }
0x9e: {  	s18 =	sld [smem:$0x3FDB];
	_ =	sdelay $0x1  }
0x9f: {  	s19 =	simm.s32 $_scs_section_size  }
0xa0: {  	s5 =	simm.s32 $_size__tile_overlayer_lowered;
	s6 =	simm.s32 $_tile_overlayer_lowered  }
0xa1: {  	s22 =	simm.s32 $0x1BFF;
	s21 =	sshll.u32 s6, $0x1;
	s3 =	sadd.s32 s19, s18  }
0xa2: {  	s7 =	simm.s32 $0x0;
	s20 =	sshll.u32 s5, $0x1;
	s5 =	sadd.s32 s21, s3  }
0xa3: {  	[timem:s7], [sflag:s22] =	dma.local [hbm:s5], s20  }
0xa4: {  	_ =	swait.ge [sflag:s22], s20  }
0xa5: {  	s4 =	ssub.s32 $0x0, s20;
	[sflag:s22] =	ssyncset.done $0x0  }
0xa6: {  	[sflag:s22] =	ssyncadd.s32 s4;
	_ =	sdelay $0x1  }
0xa7: {  	s23 =	simm.s32 $0x1B8B  }
0xa8: {  	_ =	swait.ge [sflag:s23], $0x1  }
0xa9: {  	[sflag:s23] =	ssyncset.done $0x0  }
0xaa: {  	s25 =	simm.s32 $0x1B8E;
	s24 =	sld [smem:$0x3FFE];
	[sflag:s23] =	ssyncadd.s32 $0xFFFFFFFF  }
0xab: {  	s26 =	simm.s32 $execute0_lowered;
	[smem:$0x3FD2] =	sst s25  }
0xac: {  	s5 =	sshll.u32 s26, $0x1;
	_ =	strace $0x8000004C;
	[dreg:$0x1] =	wrdreg $0xFFFFFFFF  }
0xad: {  	s28 =	simm.s32 $_size_execute0_lowered;
	s3 =	sadd.s32 s3, s5;
	[dreg:$0x0] =	wrdreg $0x0  }
0xae: {  	s5 =	sshll.u32 s28, $0x1;
	[dreg:$0x2] =	wrdreg s3  }
0xaf: {  	[dreg:$0x3] =	wrdreg s5  }
0xb0: {  	[dreg:$0x4] =	wrdreg $0xC0  }
0xb1: {  	_ =	task [dreg:s7], $0x5FFFF  }
0xb2: {  	[dreg:$0x1] =	wrdreg $0xFFFFFFFF  }
0xb3: {  	[dreg:$0x0] =	wrdreg $0x60  }
0xb4: {  	[dreg:$0x2] =	wrdreg s24  }
0xb5: {  	[dreg:$0x3] =	wrdreg s16  }
0xb6: {  	[dreg:$0x4] =	wrdreg $0x0  }
0xb7: {  	[dreg:$0x5] =	wrdreg $0x9  }
0xb8: {  	_ =	task.clear_ibuf [dreg:s7], $0x6FFFF;
	_ =	strace $0x9000004C  }
0xb9: {  	s29 =	simm.s32 $0x9;
	_ =	strace $0x8000004E  }
0xba: {  	_ =	swait.ge [sflag:s29], $0x1  }
0xbb: {  	[sflag:s29] =	ssyncadd.s32 $0xFFFFFFFF  }
0xbc: {  	_ =	strace $0x9000004E  }
0xbd: {  	_ =	sfence  }
0xbe: {  	s30 =	sld [smem:$0x0];
	_ =	sdelay $0x2  }
0xbf: {  	s31 =	sshll.u32 s1, $0xD;
	s1 =	sshrl.u32 s1, $0x2  }
0xc0: {  	s3 =	sand.u32 $0x4000, s31;
	s1 =	sadd.s32 s1, s30  }
0xc1: {  	s0 =	sor.u32 s3, s0;
	s1 =	sshll.u32 s1, $0x11  }
0xc2: {  	s0 =	sor.u32 s1, s0  }
0xc3: {  	s0 =	sadd.s32 $0x8F2B, s0  }
0xc4: {  	[sflag:s0] =	ssyncadd.remote.s32 $0x1  }
0xc5: {  	_ =	sfence.sel $0xFFFF  }
0xc6: {  	[dreg:$0x0] =	wrdreg $0xFFFFFFFF;
	(pc) =	sbr.abs _section_cstart, $3  }
0xc7: {  	[dreg:$0x1] =	wrdreg $0xFFFFFFFF  }
0xc8: {  	_ =	task.clear_ibuf [dreg:s7], $0x2FFFF;
	_ =	strace $0x9FFFFFFF  }
0xc9: {  	(tm) =	ssettm $0x7FFFFFFF  }
tec
execute0_lowered:
.L_overlay_start_1:
0x0: {  	(tag) =	ssettag $0x1  }
0x1: {  	s9 =	rddreg [dreg:$0x0]  }
0x2: {  	s1 =	rddreg [dreg:$0x1]  }
0x3: {  	s2 =	rddreg [dreg:$0x2]  }
0x4: {  	s0 =	rddreg [dreg:$0x3];
	s4 =	simm.s32 $0x0  }
0x5: {  	s5 =	srdreg.scid;
	s3 =	stileid.u32;
	s15 =	simm.s32 $0x14000  }
0x6: {  	s16 =	simm.s32 $0x14080;
	s17 =	simm.s32 $0x50;
	s18 =	simm.s32 $0x14100  }
0x7: {  	s19 =	simm.s32 $0x14200;
	s20 =	simm.s32 $0x14180;
	s22 =	simm.s32 $0x1  }
0x8: {  	s23 =	simm.s32 $0x2;
	[smem:$0x7FF] =	sst s4;
	s11 =	smul.u32 $0x2800, s3  }
0x9: {  	s10 =	sand.u32 $0x1, s5;
	s5 =	sadd.s32 $0x16A00, s9;
	s14 =	smul.u32 $0x50000, s3  }
0xa: {  	s6 =	sadd.s32 $0xCC00, s9;
	s7 =	sadd.s32 $0x2E00, s9;
	s12 =	smul.u32 $0x28000, s10  }
0xb: {  	s8 =	sadd.s32 $0xB2E00, s9;
	s31 =	sshll.u32 s3, $0x6;
	s21 =	smul.u32 $0x2710, s10  }
0xc: {  	_ =	strace $0x8000004D;
	s13 =	ssub.s32 $0x2, s10;
	s10 =	smul.u32 $0x4E20, s3  }
0xd: {  	s28 =	sshrl.u32 s13, $0x1;
	s29 =	sshrl.u32 s14, $0x2;
	s14 =	simm.s32 $0x3  }
0xe: {  	s11 =	sadd.s32 s11, s12;
	s12 =	ssub.s32 s13, s28;
	s30 =	sadd.s32 s29, s2  }
0xf: {  	v0 =	vmov s21;
	s21 =	simm.s32 $0x16A00;
	s11 =	sadd.s32 s11, s9;
	s9 =	sor.u32 $0x1C03, s31  }
0x10: {  	s12 =	smax.u32 s12, $0x1;
	s13 =	sshrl.u32 s30, $0x3;
	s11 =	sadd.s32 $0xB5600, s11  }
.LBB2_1:
0x11: {  	[spmem:s13], [sflag:s9] =	dma.local [hbm:s8], $0x2800  }
0x12: {  	_ =	swait.ge [sflag:s14], $0x2800  }
0x13: {  	[sflag:s14] =	ssyncset.done $0x0  }
0x14: {  	[sflag:s14] =	ssyncadd.s32 $0xFFFFD800  }
0x15: {  	s24 =	simm.s32 $0x0;
	[bflag:$0x0] =	sbarrier.arrive $0xFFFF  }
.LBB2_2:
0x16: {  	s25 =	smul.u32 $0x50, s24;
	_ =	sdelay $0x1  }
0x17: {  	s25 =	sadd.s32 s10, s25  }
0x18: {  	s25 =	sshrl.u32 s25, $0x3  }
0x19: {  	s28 =	simm.s32 $0x0;
	s26 =	sadd.s32 s6, s25  }
0x1a: {  	[tilespmem:s15], [sflag:$0x3] =	stream.linear.gather [hbm4b:s26+s28], $0x50, $0x38;
	[tilespmem:$0x19200] =	vst v63  }
0x1b: {  	_ =	swait.ge [sflag:s14], $0x50  }
0x1c: {  	[sflag:s14] =	ssyncset.done $0x0  }
0x1d: {  	s25 =	sadd.s32 s7, s25;
	[sflag:s14] =	ssyncadd.s32 $0xFFFFFFB0  }
0x1e: {  	[tilespmem:s16], [sflag:$0x3] =	stream.linear.gather [hbm4b:s25+s28], $0x50, $0x38;
	[tilespmem:$0x19200] =	vst v63  }
0x1f: {  	_ =	swait.ge [sflag:s14], $0x50  }
0x20: {  	[sflag:s14] =	ssyncset.done $0x0  }
0x21: {  	[sflag:s14] =	ssyncadd.s32 $0xFFFFFFB0  }
0x22: {  	v1 =	vld [tilespmem:$0x14000]  }
0x23: {  	v2 =	vld [tilespmem:$0x14080]  }
0x24: {  	v3 =	vld [tilespmem:$0x14010]  }
0x25: {  	v4 =	vld [tilespmem:$0x14090]  }
0x26: {  	v5 =	vld [tilespmem:$0x14020]  }
0x27: {  	v6 =	vld [tilespmem:$0x140A0];
	v1 =	vadd.s32 v0, v1  }
0x28: {  	[tilespmem:$0x14100] =	vst v1;
	v1 =	vadd.s32 v0, v2;
	v2 =	vld [tilespmem:$0x14030]  }
0x29: {  	[tilespmem:$0x14180] =	vst v1;
	v1 =	vadd.s32 v0, v3;
	v3 =	vld [tilespmem:$0x140B0]  }
0x2a: {  	[tilespmem:$0x14110] =	vst v1;
	v1 =	vadd.s32 v0, v4;
	v4 =	vld [tilespmem:$0x14040]  }
0x2b: {  	[tilespmem:$0x14190] =	vst v1;
	v1 =	vadd.s32 v0, v5;
	v5 =	vld [tilespmem:$0x140C0]  }
0x2c: {  	[tilespmem:$0x14120] =	vst v1;
	v1 =	vadd.s32 v0, v6  }
0x2d: {  	[tilespmem:$0x141A0] =	vst v1;
	v1 =	vadd.s32 v0, v2  }
0x2e: {  	[tilespmem:$0x14130] =	vst v1;
	v1 =	vadd.s32 v0, v3  }
0x2f: {  	[tilespmem:$0x141B0] =	vst v1;
	v1 =	vadd.s32 v0, v4  }
0x30: {  	[tilespmem:$0x14140] =	vst v1;
	v1 =	vadd.s32 v0, v5  }
0x31: {  	[tilespmem:$0x141C0] =	vst v1  }
0x32: {  	[tilespmem:s19], [sflag:$0x1] =	stream.indirect.gather [hbm4b:s5+s17], $0x80, s18, s17, $0xb8;
	[tilespmem:$0x19200] =	vst v63  }
0x33: {  	_ = 	snop  }
0x34: {  	[tilespmem:s21], [sflag:$0x2] =	stream.indirect.gather [hbm4b:s1+s17], $0x80, s20, s17, $0xb8;
	[tilespmem:$0x19200] =	vst v63  }
0x35: {  	_ =	swait.ge [sflag:s22], $0x2800  }
0x36: {  	[sflag:s22] =	ssyncset.done $0x0  }
0x37: {  	[sflag:s22] =	ssyncadd.s32 $0xFFFFD800  }
0x38: {  	_ =	swait.ge [sflag:s23], $0x2800  }
0x39: {  	[sflag:s23] =	ssyncset.done $0x0  }
0x3a: {  	s25 =	simm.s32 $0x0;
	[sflag:s23] =	ssyncadd.s32 $0xFFFFD800  }
0x3b: {  	v7 =	vld [tilespmem:s25+$0x16A00]  }
0x3c: {  	v12 =	vld [tilespmem:s25+$0x16A10]  }
0x3d: {  	v6 =	vld [tilespmem:s25+$0x16A20]  }
0x3e: {  	v5 =	vld [tilespmem:s25+$0x16A30]  }
0x3f: {  	v4 =	vld [tilespmem:s25+$0x16A40]  }
0x40: {  	v3 =	vld [tilespmem:s25+$0x16A50]  }
0x41: {  	v2 =	vld [tilespmem:s25+$0x16A60]  }
0x42: {  	v1 =	vld [tilespmem:s25+$0x16A70]  }
0x43: {  	v13 =	vld [tilespmem:s25+$0x14200]  }
0x44: {  	v14 =	vld [tilespmem:s25+$0x14210]  }
0x45: {  	v11 =	vld [tilespmem:s25+$0x14220]  }
0x46: {  	v10 =	vld [tilespmem:s25+$0x14230]  }
0x47: {  	v9 =	vld [tilespmem:s25+$0x14240]  }
0x48: {  	v8 =	vld [tilespmem:s25+$0x14250];
	v13 =	vadd.f32 v7, v13  }
0x49: {  	s26 =	simm.s32 $0x200;
	v12 =	vadd.f32 v12, v14;
	v7 =	vld [tilespmem:s25+$0x14260]  }
.LBB2_3:
0x4a: {  	s28 =	sshra.s32 s26, $0x2;
	p0 =	sne.s32 s26, $0x9E00;
	v13 =	vmax.f32 v13, $0.0e+00;
	v6 =	vadd.f32 v6, v11;
	v11 =	vld [tilespmem:s25+$0x14270]  }
0x4b: {  	v14 =	vld [tilespmem:s28+$0x16A00];
	[tilespmem:s25+$0x14200] =	vst v13;
	v12 =	vmax.f32 v12, $0.0e+00;
	v5 =	vadd.f32 v5, v10  }
0x4c: {  	v15 =	vld [tilespmem:s28+$0x16A10];
	[tilespmem:s25+$0x14210] =	vst v12;
	v10 =	vmax.f32 v6, $0.0e+00;
	v4 =	vadd.f32 v4, v9  }
0x4d: {  	v6 =	vld [tilespmem:s28+$0x16A20];
	[tilespmem:s25+$0x14220] =	vst v10;
	v9 =	vmax.f32 v5, $0.0e+00;
	v3 =	vadd.f32 v3, v8  }
0x4e: {  	v5 =	vld [tilespmem:s28+$0x16A30];
	[tilespmem:s25+$0x14230] =	vst v9;
	v8 =	vmax.f32 v4, $0.0e+00;
	v2 =	vadd.f32 v2, v7  }
0x4f: {  	v4 =	vld [tilespmem:s28+$0x16A40];
	[tilespmem:s25+$0x14240] =	vst v8;
	v7 =	vmax.f32 v3, $0.0e+00;
	v1 =	vadd.f32 v1, v11  }
0x50: {  	v3 =	vld [tilespmem:s28+$0x16A50];
	[tilespmem:s25+$0x14250] =	vst v7;
	v7 =	vmax.f32 v2, $0.0e+00  }
0x51: {  	v2 =	vld [tilespmem:s28+$0x16A60];
	[tilespmem:s25+$0x14260] =	vst v7;
	v7 =	vmax.f32 v1, $0.0e+00  }
0x52: {  	v1 =	vld [tilespmem:s28+$0x16A70];
	[tilespmem:s25+$0x14270] =	vst v7;
	s25 =	smov.u32 s28  }
0x53: {  	v7 =	vld [tilespmem:s25+$0x14200]  }
0x54: {  	v12 =	vld [tilespmem:s25+$0x14210]  }
.Ltmp0:
0x55: {  	v11 =	vld [tilespmem:s25+$0x14220];
	(pc) =	sbr.rel @p0 .LBB2_3-.Ltmp0, $4  }
0x56: {  	v10 =	vld [tilespmem:s25+$0x14230]  }
0x57: {  	v9 =	vld [tilespmem:s25+$0x14240]  }
0x58: {  	v13 =	vadd.f32 v14, v7;
	v8 =	vld [tilespmem:s25+$0x14250]  }
0x59: {  	s26 =	sadd.s32 $0x200, s26;
	v12 =	vadd.f32 v15, v12;
	v7 =	vld [tilespmem:s25+$0x14260]  }
0x5a: {  	v13 =	vmax.f32 v13, $0.0e+00;
	v6 =	vadd.f32 v6, v11;
	v63 =	vld [tilespmem:s25+$0x14270]  }
0x5b: {  	[tilespmem:s25+$0x14200] =	vst v13;
	v12 =	vmax.f32 v12, $0.0e+00;
	v5 =	vadd.f32 v5, v10  }
0x5c: {  	[tilespmem:s25+$0x14210] =	vst v12;
	v6 =	vmax.f32 v6, $0.0e+00;
	v4 =	vadd.f32 v4, v9  }
0x5d: {  	[tilespmem:s25+$0x14220] =	vst v6;
	v5 =	vmax.f32 v5, $0.0e+00;
	v3 =	vadd.f32 v3, v8  }
0x5e: {  	[tilespmem:s25+$0x14230] =	vst v5;
	v4 =	vmax.f32 v4, $0.0e+00;
	v2 =	vadd.f32 v2, v7  }
0x5f: {  	[tilespmem:s25+$0x14240] =	vst v4;
	v3 =	vmax.f32 v3, $0.0e+00;
	v1 =	vadd.f32 v1, v63  }
0x60: {  	s24 =	sadd.s32 $0x1, s24;
	[tilespmem:s25+$0x14250] =	vst v3;
	v2 =	vmax.f32 v2, $0.0e+00  }
0x61: {  	p0 =	sne.s32 s24, $0xFA;
	[tilespmem:s25+$0x14260] =	vst v2;
	v1 =	vmax.f32 v1, $0.0e+00  }
.Ltmp1:
0x62: {  	[tilespmem:s25+$0x14270] =	vst v1;
	(pc) =	sbr.rel @p0 .LBB2_2-.Ltmp1, $4  }
0x63: {  	[spmem:s2] =	stream.indirect.scatter.add.f32 [tilespmem:s19], [sflag:$0x3], $0x80, s16, s17, $0xb8;
	[tilespmem:$0x19200] =	vst v63  }
0x64: {  	_ =	swait.ge [sflag:s14], $0x2800  }
0x65: {  	[sflag:s14] =	ssyncset.done $0x0  }
0x66: {  	[sflag:s14] =	ssyncadd.s32 $0xFFFFD800  }
0x67: {  	s4 =	sadd.s32 $0x1, s4  }
0x68: {  	p0 =	sne.s32 s4, s12  }
.Ltmp2:
0x69: {  	[bflag:$0x0] =	sbarrier.arrive $0xFFFF;
	(pc) =	sbr.rel @p0 .LBB2_1-.Ltmp2, $4  }
0x6a: {  	[hbm:s11], [sflag:s9] =	dma.local [spmem:s13], $0x2800  }
0x6b: {  	_ =	swait.ge [sflag:s14], $0x2800  }
0x6c: {  	[sflag:s14] =	ssyncset.done $0x0  }
0x6d: {  	[sflag:s14] =	ssyncadd.s32 $0xFFFFD800  }
0x6e: {  	_ =	sfence.sel $0x180000  }
0x6f: {  	[bflag:$0x0] =	sbarrier.arrive $0xFFFF  }
0x70: {  	p0 =	sne.s32 s3, $0x0;
	_ =	strace $0x9000004D  }
0x71: {  	s0 =	sadd.s32 @!p0 $0x100000, s0;
	[bflag:$0x2] =	sbarrier.arrive $0xFFFF  }
0x72: {  	[sflag:s0] =	ssyncadd.tile.s32 @!p0 $0x1;
	_ =	shalt  }
.Lfunc_end2:
_tile_overlayer_lowered:
.L_overlay_start_2:
0x73: {  	(tag) =	ssettag $0x2  }
0x74: {  	s0 =	rddreg [dreg:$0x0];
	s2 =	stileid.u32  }
0x75: {  	s1 =	rddreg [dreg:$0x1];
	p0 =	sne.s32 s2, $0x0  }
0x76: {  	s3 =	rddreg [dreg:$0x2];
	[bflag:$0x3] =	sbarrier.arrive $0xFFFF;
	s2 =	simm.s32 @!p0 $0x1C03  }
0x77: {  	[timem:s3], [sflag:s2] =	dma.local @!p0 [hbm:s0], s1  }
0x78: {  	s0 =	simm.s32 @!p0 $0x3  }
0x79: {  	_ =	swait.ge @!p0 [sflag:s0], s1  }
0x7a: {  	s1 =	ssub.s32 @!p0 $0x0, s1;
	[sflag:s0] =	ssyncset.done @!p0 $0x0  }
0x7b: {  	[sflag:s0] =	ssyncadd.s32 @!p0 s1  }
0x7c: {  	[bflag:$0x3] =	sbarrier.arrive $0xFFFF  }
0x7d: {  	_ =	shalt  }

// kernel: kernel.9.cloned.1.call-start
scs
__scs_entry_jumppad:
0x0: {  	(pc) =	sbr.rel $0x88, $3  }
0x1: {  	(tag) =	ssettag $0x0;
	lr =	simm.s32 $0x1  }
0x2: {  	[smem:$0x3F93] =	sst lr;
	_ =	strace $0xD0000000  }
0x3: {  	_ = 	snop  }
0x4: {  	_ = 	snop  }
0x5: {  	_ = 	snop  }
0x6: {  	_ = 	snop  }
0x7: {  	_ = 	snop  }
__scs_overlays_trampoline_lowered:
0x8: {  	[smem:$0x3FA2] =	sst s0  }
0x9: {  	[smem:$0x3FA3] =	sst s1  }
0xa: {  	[smem:$0x3FA4] =	sst s2  }
0xb: {  	[smem:$0x3FA5] =	sst s3  }
0xc: {  	[smem:$0x3FA6] =	sst s4  }
0xd: {  	[smem:$0x3FA7] =	sst s5  }
0xe: {  	[smem:$0x3FA8] =	sst s6  }
0xf: {  	[smem:$0x3FA9] =	sst s7  }
0x10: {  	[smem:$0x3FAA] =	sst s8  }
0x11: {  	[smem:$0x3FAB] =	sst s9;
	s0 =	simm.s32 @!p0 $0x0  }
0x12: {  	s1 =	sld [smem:$0x3F91];
	s0 =	simm.s32 @p0 $0x1  }
0x13: {  	[smem:$0x3FAC] =	sst s0;
	s0 =	simm.s32 @!p1 $0x0  }
0x14: {  	s2 =	sld [smem:$0x3F90];
	s0 =	simm.s32 @p1 $0x1  }
0x15: {  	[smem:$0x3FAD] =	sst s0;
	s0 =	simm.s32 @!p2 $0x0  }
0x16: {  	s3 =	sld [smem:$0x3FDB];
	s0 =	simm.s32 @p2 $0x1  }
0x17: {  	s4 =	simm.s32 $0x1BF5;
	[smem:$0x3FAF] =	sst s0  }
0x18: {  	s0 =	sld [smem:$0x3F92];
	_ =	swait.ge [sflag:s4], $0x0  }
0x19: {  	s7 =	sld [smem:$0x3F93]  }
0x1a: {  	s8 =	sadd.s32 $0xFFFFE003, lr  }
0x1b: {  	s9 =	sadd.s32 $0xFFFFFEF7, lr;
	s5 =	simm.s32 $0xFFFFFFFF;
	p2 =	slt.u32 s8, $0xFFFFF086  }
0x1c: {  	p1 =	slt.u32 s9, $0xF7A;
	s5 =	simm.s32 @!p2 $0x0  }
0x1d: {  	s5 =	simm.s32 @p1 $0x1;
	p0 =	seq.s32 s7, s2  }
0x1e: {  	s7 =	smul.u32 @!p0 $0xF7A, s2;
	p2 =	seq.s32 @!p0 s5, $0x0  }
0x1f: {  	s9 =	smul.u32 $0xF7A, s1;
	s8 =	simm.s32 @!p0 $0x1BF5;
	p2 =	por !p2, p0  }
0x20: {  	[sflag:s8] =	ssyncset.s32 @!p0 $0xFFFFF086;
	s6 =	sadd.s32 @!p0 s3, s7;
	s7 =	simm.s32 @!p0 $0x108  }
0x21: {  	s3 =	sadd.s32 s3, s9;
	s6 =	sadd.s32 @!p0 $0x88, s6;
	s7 =	simm.s32 @p2 $0x1082  }
0x22: {  	[simem:s7], [sflag:s8] =	dma.local @!p0 [hbm:s6], $0xF7A  }
0x23: {  	s9 =	sor.u32 $0xD0000000, s2;
	s6 =	simm.s32 $0x108;
	_ =	swait.ge @!p0 [sflag:s8], $0x0  }
0x24: {  	s3 =	sadd.s32 $0x88, s3;
	s6 =	simm.s32 @!p1 $0x1082;
	[sflag:s4] =	ssyncset.s32 $0xFFFFF086  }
0x25: {  	[simem:s6], [sflag:s4] =	dma.local [hbm:s3], $0xF7A  }
0x26: {  	[smem:$0x3F93] =	sst s1;
	(tag) =	ssettag s2;
	_ =	strace s9  }
0x27: {  	s1 =	sld [smem:$0x3FA3]  }
0x28: {  	s2 =	sld [smem:$0x3FA4]  }
0x29: {  	s4 =	sld [smem:$0x3FA6]  }
0x2a: {  	p0 =	seq.s32 s5, $0x0;
	s5 =	sld [smem:$0x3FA7]  }
0x2b: {  	s6 =	sld [smem:$0x3FA8]  }
0x2c: {  	s7 =	sld [smem:$0x3FA9]  }
0x2d: {  	s3 =	simm.s32 $0x108;
	s8 =	sld [smem:$0x3FAA]  }
0x2e: {  	s3 =	simm.s32 @!p0 $0x1082;
	s9 =	sld [smem:$0x3FAB]  }
0x2f: {  	lr =	sadd.s32 s0, s3;
	s0 =	sld [smem:$0x3FA2]  }
0x30: {  	s3 =	sld [smem:$0x3FA5]  }
0x31: {  	[smem:$0x3FAE] =	sst s10  }
0x32: {  	s10 =	sld [smem:$0x3FAC];
	_ =	sdelay $0x3  }
0x33: {  	p0 =	seq.s32 s10, $0x1;
	s10 =	sld [smem:$0x3FAE];
	_ =	sdelay $0x3  }
0x34: {  	[smem:$0x3FAE] =	sst s10  }
0x35: {  	s10 =	sld [smem:$0x3FAD];
	_ =	sdelay $0x3  }
0x36: {  	p1 =	seq.s32 s10, $0x1;
	s10 =	sld [smem:$0x3FAE];
	_ =	sdelay $0x3  }
0x37: {  	[smem:$0x3FAE] =	sst s10  }
0x38: {  	s10 =	sld [smem:$0x3FAF]  }
0x39: {  	_ = 	snop;
	(pc) =	sbr.ind lr, $3  }
0x3a: {  	_ = 	snop  }
0x3b: {  	_ = 	snop  }
0x3c: {  	p2 =	seq.s32 s10, $0x1;
	s10 =	sld [smem:$0x3FAE]  }
0x3d: {  	_ =	shalt  }
0x3e: {  	_ =	shalt  }
0x3f: {  	_ =	shalt  }
0x40: {  	_ =	shalt  }
0x41: {  	_ =	shalt  }
0x42: {  	_ =	shalt  }
0x43: {  	_ =	shalt  }
0x44: {  	_ =	shalt  }
0x45: {  	_ =	shalt  }
0x46: {  	_ =	shalt  }
0x47: {  	_ =	shalt  }
0x48: {  	_ =	shalt  }
0x49: {  	_ =	shalt  }
0x4a: {  	_ =	shalt  }
0x4b: {  	_ =	shalt  }
0x4c: {  	_ =	shalt  }
0x4d: {  	_ =	shalt  }
0x4e: {  	_ =	shalt  }
0x4f: {  	_ =	shalt  }
0x50: {  	_ =	shalt  }
0x51: {  	_ =	shalt  }
0x52: {  	_ =	shalt  }
0x53: {  	_ =	shalt  }
0x54: {  	_ =	shalt  }
0x55: {  	_ =	shalt  }
0x56: {  	_ =	shalt  }
0x57: {  	_ =	shalt  }
0x58: {  	_ =	shalt  }
0x59: {  	_ =	shalt  }
0x5a: {  	_ =	shalt  }
0x5b: {  	_ =	shalt  }
0x5c: {  	_ =	shalt  }
0x5d: {  	_ =	shalt  }
0x5e: {  	_ =	shalt  }
0x5f: {  	_ =	shalt  }
0x60: {  	_ =	shalt  }
0x61: {  	_ =	shalt  }
0x62: {  	_ =	shalt  }
0x63: {  	_ =	shalt  }
0x64: {  	_ =	shalt  }
0x65: {  	_ =	shalt  }
0x66: {  	_ =	shalt  }
0x67: {  	_ =	shalt  }
0x68: {  	_ =	shalt  }
0x69: {  	_ =	shalt  }
0x6a: {  	_ =	shalt  }
0x6b: {  	_ =	shalt  }
0x6c: {  	_ =	shalt  }
0x6d: {  	_ =	shalt  }
0x6e: {  	_ =	shalt  }
0x6f: {  	_ =	shalt  }
0x70: {  	_ =	shalt  }
0x71: {  	_ =	shalt  }
0x72: {  	_ =	shalt  }
0x73: {  	_ =	shalt  }
0x74: {  	_ =	shalt  }
0x75: {  	_ =	shalt  }
0x76: {  	_ =	shalt  }
0x77: {  	_ =	shalt  }
0x78: {  	_ =	shalt  }
0x79: {  	_ =	shalt  }
0x7a: {  	_ =	shalt  }
0x7b: {  	_ =	shalt  }
0x7c: {  	_ =	shalt  }
0x7d: {  	_ =	shalt  }
0x7e: {  	_ =	shalt  }
0x7f: {  	_ =	shalt  }
0x80: {  	_ =	shalt  }
0x81: {  	_ =	shalt  }
0x82: {  	_ =	shalt  }
0x83: {  	_ =	shalt  }
0x84: {  	_ =	shalt  }
0x85: {  	_ =	shalt  }
0x86: {  	_ =	shalt  }
0x87: {  	_ =	shalt  }
.Lfunc_end0:
.L_simem_size_0:
called_computation_lowered:
.L_overlay_start_0:
0x88: {  	s2 =	sld [smem:$0x3FD9]  }
0x89: {  	s3 =	sld [smem:$0x3FFE];
	_ =	sdelay $0x1  }
0x8a: {  	s1 =	srdreg.scid  }
0x8b: {  	s0 =	sand.u32 $0x1, s1  }
0x8c: {  	s14 =	sshll.u32 s0, $0xA;
	s2 =	sadd.s32 s3, s2  }
0x8d: {  	s2 =	sadd.s32 s2, s14  }
0x8e: {  	[smem:$0x3FBA] =	sst s2  }
0x8f: {  	_ = 	snop  }
0x90: {  	s2 =	sld [smem:$0x3FD0];
	_ =	sdelay $0x2  }
0x91: {  	s15 =	simm.s32 $0xA;
	s4 =	simm.s32 $0x10  }
0x92: {  	[smem:s4], [sflag:s15] =	dma.local [hbm:s2], $0x1  }
0x93: {  	_ =	swait.eq [sflag:s15], $0x1  }
0x94: {  	[sflag:s15] =	ssyncset.done $0x0  }
0x95: {  	[sflag:s15] =	ssyncadd.s32 $0xFFFFFFFF  }
0x96: {  	s16 =	sld [smem:$0x11];
	(tm) =	ssettm $0x1  }
0x97: {  	s17 =	sld [smem:$0x3FFB];
	_ =	sdelay $0x3  }
0x98: {  	_ =	strace s17  }
0x99: {  	s3 =	sld [smem:$0x3FFC];
	_ =	sdelay $0x3  }
0x9a: {  	_ =	strace s3  }
0x9b: {  	s3 =	sld [smem:$0x3FFD];
	_ =	sdelay $0x3  }
0x9c: {  	_ =	strace s3  }
0x9d: {  	_ =	strace $0x8FFFFFFF  }
0x9e: {  	s18 =	sld [smem:$0x3FDB];
	_ =	sdelay $0x1  }
0x9f: {  	s19 =	simm.s32 $_scs_section_size  }
0xa0: {  	s5 =	simm.s32 $_size__tile_overlayer_lowered;
	s6 =	simm.s32 $_tile_overlayer_lowered  }
0xa1: {  	s22 =	simm.s32 $0x1BFF;
	s21 =	sshll.u32 s6, $0x1;
	s3 =	sadd.s32 s19, s18  }
0xa2: {  	s7 =	simm.s32 $0x0;
	s20 =	sshll.u32 s5, $0x1;
	s5 =	sadd.s32 s21, s3  }
0xa3: {  	[timem:s7], [sflag:s22] =	dma.local [hbm:s5], s20  }
0xa4: {  	_ =	swait.ge [sflag:s22], s20  }
0xa5: {  	s4 =	ssub.s32 $0x0, s20;
	[sflag:s22] =	ssyncset.done $0x0  }
0xa6: {  	[sflag:s22] =	ssyncadd.s32 s4;
	_ =	sdelay $0x1  }
0xa7: {  	s23 =	simm.s32 $0x1B8B  }
0xa8: {  	_ =	swait.ge [sflag:s23], $0x1  }
0xa9: {  	[sflag:s23] =	ssyncset.done $0x0  }
0xaa: {  	s25 =	simm.s32 $0x1B8E;
	s24 =	sld [smem:$0x3FFE];
	[sflag:s23] =	ssyncadd.s32 $0xFFFFFFFF  }
0xab: {  	s26 =	simm.s32 $execute0_lowered;
	[smem:$0x3FD2] =	sst s25  }
0xac: {  	s5 =	sshll.u32 s26, $0x1;
	_ =	strace $0x80000046;
	[dreg:$0x1] =	wrdreg $0xFFFFFFFF  }
0xad: {  	s28 =	simm.s32 $_size_execute0_lowered;
	s3 =	sadd.s32 s3, s5;
	[dreg:$0x0] =	wrdreg $0x0  }
0xae: {  	s5 =	sshll.u32 s28, $0x1;
	[dreg:$0x2] =	wrdreg s3  }
0xaf: {  	[dreg:$0x3] =	wrdreg s5  }
0xb0: {  	[dreg:$0x4] =	wrdreg $0xC0  }
0xb1: {  	_ =	task [dreg:s7], $0x5FFFF  }
0xb2: {  	[dreg:$0x1] =	wrdreg $0xFFFFFFFF  }
0xb3: {  	[dreg:$0x0] =	wrdreg $0x60  }
0xb4: {  	[dreg:$0x2] =	wrdreg s16  }
0xb5: {  	[dreg:$0x3] =	wrdreg s24  }
0xb6: {  	[dreg:$0x4] =	wrdreg $0x0  }
0xb7: {  	[dreg:$0x5] =	wrdreg $0x9  }
0xb8: {  	_ =	task.clear_ibuf [dreg:s7], $0x6FFFF;
	_ =	strace $0x90000046  }
0xb9: {  	s29 =	simm.s32 $0x9;
	_ =	strace $0x80000048  }
0xba: {  	_ =	swait.ge [sflag:s29], $0x1  }
0xbb: {  	[sflag:s29] =	ssyncadd.s32 $0xFFFFFFFF  }
0xbc: {  	_ =	strace $0x90000048  }
0xbd: {  	_ =	sfence  }
0xbe: {  	s30 =	sld [smem:$0x0];
	_ =	sdelay $0x2  }
0xbf: {  	s31 =	sshll.u32 s1, $0xD;
	s1 =	sshrl.u32 s1, $0x2  }
0xc0: {  	s3 =	sand.u32 $0x4000, s31;
	s1 =	sadd.s32 s1, s30  }
0xc1: {  	s0 =	sor.u32 s3, s0;
	s1 =	sshll.u32 s1, $0x11  }
0xc2: {  	s0 =	sor.u32 s1, s0  }
0xc3: {  	s0 =	sadd.s32 $0x8F2B, s0  }
0xc4: {  	[sflag:s0] =	ssyncadd.remote.s32 $0x1  }
0xc5: {  	_ =	sfence.sel $0xFFFF  }
0xc6: {  	[dreg:$0x0] =	wrdreg $0xFFFFFFFF;
	(pc) =	sbr.abs _section_cstart, $3  }
0xc7: {  	[dreg:$0x1] =	wrdreg $0xFFFFFFFF  }
0xc8: {  	_ =	task.clear_ibuf [dreg:s7], $0x2FFFF;
	_ =	strace $0x9FFFFFFF  }
0xc9: {  	(tm) =	ssettm $0x7FFFFFFF  }
tec
execute0_lowered:
.L_overlay_start_1:
0x0: {  	(tag) =	ssettag $0x1  }
0x1: {  	s1 =	rddreg [dreg:$0x0]  }
0x2: {  	s9 =	rddreg [dreg:$0x1]  }
0x3: {  	s2 =	rddreg [dreg:$0x2]  }
0x4: {  	s0 =	rddreg [dreg:$0x3];
	s4 =	simm.s32 $0x0  }
0x5: {  	s5 =	srdreg.scid;
	s3 =	stileid.u32;
	s15 =	simm.s32 $0x14000  }
0x6: {  	s16 =	simm.s32 $0x14080;
	s17 =	simm.s32 $0x50;
	s18 =	simm.s32 $0x14100  }
0x7: {  	s19 =	simm.s32 $0x14200;
	s20 =	simm.s32 $0x14180;
	s22 =	simm.s32 $0x1  }
0x8: {  	s23 =	simm.s32 $0x2;
	[smem:$0x7FF] =	sst s4;
	s11 =	smul.u32 $0x2800, s3  }
0x9: {  	s10 =	sand.u32 $0x1, s5;
	s5 =	sadd.s32 $0x16A00, s9;
	s14 =	smul.u32 $0x50000, s3  }
0xa: {  	s6 =	sadd.s32 $0xCC00, s9;
	s7 =	sadd.s32 $0x2E00, s9;
	s12 =	smul.u32 $0x28000, s10  }
0xb: {  	s8 =	sadd.s32 $0xB2E00, s9;
	s31 =	sshll.u32 s3, $0x6;
	s21 =	smul.u32 $0x2710, s10  }
0xc: {  	_ =	strace $0x80000047;
	s13 =	ssub.s32 $0x2, s10;
	s10 =	smul.u32 $0x4E20, s3  }
0xd: {  	s28 =	sshrl.u32 s13, $0x1;
	s29 =	sshrl.u32 s14, $0x2;
	s14 =	simm.s32 $0x3  }
0xe: {  	s11 =	sadd.s32 s11, s12;
	s12 =	ssub.s32 s13, s28;
	s30 =	sadd.s32 s29, s2  }
0xf: {  	v0 =	vmov s21;
	s21 =	simm.s32 $0x16A00;
	s11 =	sadd.s32 s11, s9;
	s9 =	sor.u32 $0x1C03, s31  }
0x10: {  	s12 =	smax.u32 s12, $0x1;
	s13 =	sshrl.u32 s30, $0x3;
	s11 =	sadd.s32 $0xB5600, s11  }
.LBB2_1:
0x11: {  	[spmem:s13], [sflag:s9] =	dma.local [hbm:s8], $0x2800  }
0x12: {  	_ =	swait.ge [sflag:s14], $0x2800  }
0x13: {  	[sflag:s14] =	ssyncset.done $0x0  }
0x14: {  	[sflag:s14] =	ssyncadd.s32 $0xFFFFD800  }
0x15: {  	s24 =	simm.s32 $0x0;
	[bflag:$0x0] =	sbarrier.arrive $0xFFFF  }
.LBB2_2:
0x16: {  	s25 =	smul.u32 $0x50, s24;
	_ =	sdelay $0x1  }
0x17: {  	s25 =	sadd.s32 s10, s25  }
0x18: {  	s25 =	sshrl.u32 s25, $0x3  }
0x19: {  	s28 =	simm.s32 $0x0;
	s26 =	sadd.s32 s6, s25  }
0x1a: {  	[tilespmem:s15], [sflag:$0x3] =	stream.linear.gather [hbm4b:s26+s28], $0x50, $0x38;
	[tilespmem:$0x19200] =	vst v63  }
0x1b: {  	_ =	swait.ge [sflag:s14], $0x50  }
0x1c: {  	[sflag:s14] =	ssyncset.done $0x0  }
0x1d: {  	s25 =	sadd.s32 s7, s25;
	[sflag:s14] =	ssyncadd.s32 $0xFFFFFFB0  }
0x1e: {  	[tilespmem:s16], [sflag:$0x3] =	stream.linear.gather [hbm4b:s25+s28], $0x50, $0x38;
	[tilespmem:$0x19200] =	vst v63  }
0x1f: {  	_ =	swait.ge [sflag:s14], $0x50  }
0x20: {  	[sflag:s14] =	ssyncset.done $0x0  }
0x21: {  	[sflag:s14] =	ssyncadd.s32 $0xFFFFFFB0  }
0x22: {  	v1 =	vld [tilespmem:$0x14000]  }
0x23: {  	v2 =	vld [tilespmem:$0x14080]  }
0x24: {  	v3 =	vld [tilespmem:$0x14010]  }
0x25: {  	v4 =	vld [tilespmem:$0x14090]  }
0x26: {  	v5 =	vld [tilespmem:$0x14020]  }
0x27: {  	v6 =	vld [tilespmem:$0x140A0];
	v1 =	vadd.s32 v0, v1  }
0x28: {  	[tilespmem:$0x14100] =	vst v1;
	v1 =	vadd.s32 v0, v2;
	v2 =	vld [tilespmem:$0x14030]  }
0x29: {  	[tilespmem:$0x14180] =	vst v1;
	v1 =	vadd.s32 v0, v3;
	v3 =	vld [tilespmem:$0x140B0]  }
0x2a: {  	[tilespmem:$0x14110] =	vst v1;
	v1 =	vadd.s32 v0, v4;
	v4 =	vld [tilespmem:$0x14040]  }
0x2b: {  	[tilespmem:$0x14190] =	vst v1;
	v1 =	vadd.s32 v0, v5;
	v5 =	vld [tilespmem:$0x140C0]  }
0x2c: {  	[tilespmem:$0x14120] =	vst v1;
	v1 =	vadd.s32 v0, v6  }
0x2d: {  	[tilespmem:$0x141A0] =	vst v1;
	v1 =	vadd.s32 v0, v2  }
0x2e: {  	[tilespmem:$0x14130] =	vst v1;
	v1 =	vadd.s32 v0, v3  }
0x2f: {  	[tilespmem:$0x141B0] =	vst v1;
	v1 =	vadd.s32 v0, v4  }
0x30: {  	[tilespmem:$0x14140] =	vst v1;
	v1 =	vadd.s32 v0, v5  }
0x31: {  	[tilespmem:$0x141C0] =	vst v1  }
0x32: {  	[tilespmem:s19], [sflag:$0x1] =	stream.indirect.gather [hbm4b:s1+s17], $0x80, s18, s17, $0xb8;
	[tilespmem:$0x19200] =	vst v63  }
0x33: {  	_ = 	snop  }
0x34: {  	[tilespmem:s21], [sflag:$0x2] =	stream.indirect.gather [hbm4b:s5+s17], $0x80, s20, s17, $0xb8;
	[tilespmem:$0x19200] =	vst v63  }
0x35: {  	_ =	swait.ge [sflag:s22], $0x2800  }
0x36: {  	[sflag:s22] =	ssyncset.done $0x0  }
0x37: {  	[sflag:s22] =	ssyncadd.s32 $0xFFFFD800  }
0x38: {  	_ =	swait.ge [sflag:s23], $0x2800  }
0x39: {  	[sflag:s23] =	ssyncset.done $0x0  }
0x3a: {  	s25 =	simm.s32 $0x0;
	[sflag:s23] =	ssyncadd.s32 $0xFFFFD800  }
0x3b: {  	v7 =	vld [tilespmem:s25+$0x16A00]  }
0x3c: {  	v12 =	vld [tilespmem:s25+$0x16A10]  }
0x3d: {  	v6 =	vld [tilespmem:s25+$0x16A20]  }
0x3e: {  	v5 =	vld [tilespmem:s25+$0x16A30]  }
0x3f: {  	v4 =	vld [tilespmem:s25+$0x16A40]  }
0x40: {  	v3 =	vld [tilespmem:s25+$0x16A50]  }
0x41: {  	v2 =	vld [tilespmem:s25+$0x16A60]  }
0x42: {  	v1 =	vld [tilespmem:s25+$0x16A70]  }
0x43: {  	v13 =	vld [tilespmem:s25+$0x14200]  }
0x44: {  	v14 =	vld [tilespmem:s25+$0x14210]  }
0x45: {  	v11 =	vld [tilespmem:s25+$0x14220]  }
0x46: {  	v10 =	vld [tilespmem:s25+$0x14230]  }
0x47: {  	v9 =	vld [tilespmem:s25+$0x14240]  }
0x48: {  	v8 =	vld [tilespmem:s25+$0x14250];
	v13 =	vadd.f32 v7, v13  }
0x49: {  	s26 =	simm.s32 $0x200;
	v12 =	vadd.f32 v12, v14;
	v7 =	vld [tilespmem:s25+$0x14260]  }
.LBB2_3:
0x4a: {  	s28 =	sshra.s32 s26, $0x2;
	p0 =	sne.s32 s26, $0x9E00;
	v13 =	vmax.f32 v13, $0.0e+00;
	v6 =	vadd.f32 v6, v11;
	v11 =	vld [tilespmem:s25+$0x14270]  }
0x4b: {  	v14 =	vld [tilespmem:s28+$0x16A00];
	[tilespmem:s25+$0x14200] =	vst v13;
	v12 =	vmax.f32 v12, $0.0e+00;
	v5 =	vadd.f32 v5, v10  }
0x4c: {  	v15 =	vld [tilespmem:s28+$0x16A10];
	[tilespmem:s25+$0x14210] =	vst v12;
	v10 =	vmax.f32 v6, $0.0e+00;
	v4 =	vadd.f32 v4, v9  }
0x4d: {  	v6 =	vld [tilespmem:s28+$0x16A20];
	[tilespmem:s25+$0x14220] =	vst v10;
	v9 =	vmax.f32 v5, $0.0e+00;
	v3 =	vadd.f32 v3, v8  }
0x4e: {  	v5 =	vld [tilespmem:s28+$0x16A30];
	[tilespmem:s25+$0x14230] =	vst v9;
	v8 =	vmax.f32 v4, $0.0e+00;
	v2 =	vadd.f32 v2, v7  }
0x4f: {  	v4 =	vld [tilespmem:s28+$0x16A40];
	[tilespmem:s25+$0x14240] =	vst v8;
	v7 =	vmax.f32 v3, $0.0e+00;
	v1 =	vadd.f32 v1, v11  }
0x50: {  	v3 =	vld [tilespmem:s28+$0x16A50];
	[tilespmem:s25+$0x14250] =	vst v7;
	v7 =	vmax.f32 v2, $0.0e+00  }
0x51: {  	v2 =	vld [tilespmem:s28+$0x16A60];
	[tilespmem:s25+$0x14260] =	vst v7;
	v7 =	vmax.f32 v1, $0.0e+00  }
0x52: {  	v1 =	vld [tilespmem:s28+$0x16A70];
	[tilespmem:s25+$0x14270] =	vst v7;
	s25 =	smov.u32 s28  }
0x53: {  	v7 =	vld [tilespmem:s25+$0x14200]  }
0x54: {  	v12 =	vld [tilespmem:s25+$0x14210]  }
.Ltmp0:
0x55: {  	v11 =	vld [tilespmem:s25+$0x14220];
	(pc) =	sbr.rel @p0 .LBB2_3-.Ltmp0, $4  }
0x56: {  	v10 =	vld [tilespmem:s25+$0x14230]  }
0x57: {  	v9 =	vld [tilespmem:s25+$0x14240]  }
0x58: {  	v13 =	vadd.f32 v14, v7;
	v8 =	vld [tilespmem:s25+$0x14250]  }
0x59: {  	s26 =	sadd.s32 $0x200, s26;
	v12 =	vadd.f32 v15, v12;
	v7 =	vld [tilespmem:s25+$0x14260]  }
0x5a: {  	v13 =	vmax.f32 v13, $0.0e+00;
	v6 =	vadd.f32 v6, v11;
	v63 =	vld [tilespmem:s25+$0x14270]  }
0x5b: {  	[tilespmem:s25+$0x14200] =	vst v13;
	v12 =	vmax.f32 v12, $0.0e+00;
	v5 =	vadd.f32 v5, v10  }
0x5c: {  	[tilespmem:s25+$0x14210] =	vst v12;
	v6 =	vmax.f32 v6, $0.0e+00;
	v4 =	vadd.f32 v4, v9  }
0x5d: {  	[tilespmem:s25+$0x14220] =	vst v6;
	v5 =	vmax.f32 v5, $0.0e+00;
	v3 =	vadd.f32 v3, v8  }
0x5e: {  	[tilespmem:s25+$0x14230] =	vst v5;
	v4 =	vmax.f32 v4, $0.0e+00;
	v2 =	vadd.f32 v2, v7  }
0x5f: {  	[tilespmem:s25+$0x14240] =	vst v4;
	v3 =	vmax.f32 v3, $0.0e+00;
	v1 =	vadd.f32 v1, v63  }
0x60: {  	s24 =	sadd.s32 $0x1, s24;
	[tilespmem:s25+$0x14250] =	vst v3;
	v2 =	vmax.f32 v2, $0.0e+00  }
0x61: {  	p0 =	sne.s32 s24, $0xFA;
	[tilespmem:s25+$0x14260] =	vst v2;
	v1 =	vmax.f32 v1, $0.0e+00  }
.Ltmp1:
0x62: {  	[tilespmem:s25+$0x14270] =	vst v1;
	(pc) =	sbr.rel @p0 .LBB2_2-.Ltmp1, $4  }
0x63: {  	[spmem:s2] =	stream.indirect.scatter.add.f32 [tilespmem:s19], [sflag:$0x3], $0x80, s16, s17, $0xb8;
	[tilespmem:$0x19200] =	vst v63  }
0x64: {  	_ =	swait.ge [sflag:s14], $0x2800  }
0x65: {  	[sflag:s14] =	ssyncset.done $0x0  }
0x66: {  	[sflag:s14] =	ssyncadd.s32 $0xFFFFD800  }
0x67: {  	s4 =	sadd.s32 $0x1, s4  }
0x68: {  	p0 =	sne.s32 s4, s12  }
.Ltmp2:
0x69: {  	[bflag:$0x0] =	sbarrier.arrive $0xFFFF;
	(pc) =	sbr.rel @p0 .LBB2_1-.Ltmp2, $4  }
0x6a: {  	[hbm:s11], [sflag:s9] =	dma.local [spmem:s13], $0x2800  }
0x6b: {  	_ =	swait.ge [sflag:s14], $0x2800  }
0x6c: {  	[sflag:s14] =	ssyncset.done $0x0  }
0x6d: {  	[sflag:s14] =	ssyncadd.s32 $0xFFFFD800  }
0x6e: {  	_ =	sfence.sel $0x180000  }
0x6f: {  	[bflag:$0x0] =	sbarrier.arrive $0xFFFF  }
0x70: {  	p0 =	sne.s32 s3, $0x0;
	_ =	strace $0x90000047  }
0x71: {  	s0 =	sadd.s32 @!p0 $0x100000, s0;
	[bflag:$0x2] =	sbarrier.arrive $0xFFFF  }
0x72: {  	[sflag:s0] =	ssyncadd.tile.s32 @!p0 $0x1;
	_ =	shalt  }
.Lfunc_end2:
_tile_overlayer_lowered:
.L_overlay_start_2:
0x73: {  	(tag) =	ssettag $0x2  }
0x74: {  	s0 =	rddreg [dreg:$0x0];
	s2 =	stileid.u32  }
0x75: {  	s1 =	rddreg [dreg:$0x1];
	p0 =	sne.s32 s2, $0x0  }
0x76: {  	s3 =	rddreg [dreg:$0x2];
	[bflag:$0x3] =	sbarrier.arrive $0xFFFF;
	s2 =	simm.s32 @!p0 $0x1C03  }
0x77: {  	[timem:s3], [sflag:s2] =	dma.local @!p0 [hbm:s0], s1  }
0x78: {  	s0 =	simm.s32 @!p0 $0x3  }
0x79: {  	_ =	swait.ge @!p0 [sflag:s0], s1  }
0x7a: {  	s1 =	ssub.s32 @!p0 $0x0, s1;
	[sflag:s0] =	ssyncset.done @!p0 $0x0  }
0x7b: {  	[sflag:s0] =	ssyncadd.s32 @!p0 s1  }
0x7c: {  	[bflag:$0x3] =	sbarrier.arrive $0xFFFF  }
0x7d: {  	_ =	shalt  }

</sc_bundles>
